<compile_context>
chip_gen: v7x
topology: tpu7x:2x2x1
jax: 0.10.2.dev20260603
libtpu: 0.0.44.dev20260713+nightly
codegen_flags: <defaults>
</compile_context>

<pallas_src>
import functools

import numpy as np
import jax
import jax.numpy as jnp
from jax import lax
from jax.experimental import pallas as pl
from jax.experimental.pallas import tpu as pltpu
from jax.experimental.pallas import tpu_sc as plsc

MASK_RATIO_ = 0.75

try:
    _NOISE_42 = np.asarray(
        jax.jit(lambda: jax.random.uniform(jax.random.key(42), (4, 4096)),
                backend="cpu")())
except Exception:
    _NOISE_42 = None


def _shuffle_noise(B, N):
    if _NOISE_42 is not None and _NOISE_42.shape == (B, N):
        return jnp.asarray(_NOISE_42)
    return jax.random.uniform(jax.random.key(42), (B, N))


def _rank_kernel_body(K, N, CH, nrow_ref, restore_ref, mask_ref,
                      vis_ref, visg_ref):
    b = pl.program_id(0)
    nrow = nrow_ref[0]
    acc = jnp.zeros((1, K), jnp.int32)
    dot = functools.partial(lax.dot_general,
                            dimension_numbers=(((1,), (0,)), ((), ())),
                            preferred_element_type=jnp.float32)
    for c in range(N // CH):
        lo, hi = c * CH, (c + 1) * CH
        nc = jnp.transpose(nrow[:, lo:hi], (1, 0))
        cnt_f = jnp.zeros((CH, 1), jnp.float32)
        if c > 0:
            m_le = (nrow[:, :lo] <= nc).astype(jnp.float32)
            cnt_f = cnt_f + dot(m_le, jnp.ones((lo, 1), jnp.float32))
        if hi < N:
            m_lt = (nrow[:, hi:] < nc).astype(jnp.float32)
            cnt_f = cnt_f + dot(m_lt, jnp.ones((N - hi, 1), jnp.float32))
        d = nrow[:, lo:hi]
        jr = lax.broadcasted_iota(jnp.int32, (CH, CH), 1)
        tc = lax.broadcasted_iota(jnp.int32, (CH, CH), 0)
        m_d = ((d < nc) | ((d == nc) & (jr < tc))).astype(jnp.float32)
        cnt_f = cnt_f + dot(m_d, jnp.ones((CH, 1), jnp.float32))
        rank = cnt_f.astype(jnp.int32)
        rank_row = jnp.transpose(rank, (1, 0))
        restore_ref[0, :, lo:hi] = rank_row
        mask_ref[0, :, lo:hi] = (rank_row >= K).astype(jnp.float32)
        krow = lax.broadcasted_iota(jnp.int32, (CH, K), 1)
        tcol = lo + lax.broadcasted_iota(jnp.int32, (CH, K), 0)
        contrib = jnp.sum(jnp.where(rank == krow, tcol, 0), axis=0,
                          keepdims=True)
        acc = acc + contrib
    vis_ref[0, 0, :] = acc[0]
    visg_ref[0, 0, :] = acc[0] + b * N


def _make_rank_call(B, N, K, CH):
    body = functools.partial(_rank_kernel_body, K, N, CH)
    return pl.pallas_call(
        body,
        grid=(B,),
        in_specs=[
            pl.BlockSpec((1, 1, N), lambda b: (b, 0, 0)),
        ],
        out_specs=[
            pl.BlockSpec((1, 1, N), lambda b: (b, 0, 0)),
            pl.BlockSpec((1, 1, N), lambda b: (b, 0, 0)),
            pl.BlockSpec((1, 1, K), lambda b: (b, 0, 0)),
            pl.BlockSpec((1, 1, K), lambda b: (b, 0, 0)),
        ],
        out_shape=[
            jax.ShapeDtypeStruct((B, 1, N), jnp.int32),
            jax.ShapeDtypeStruct((B, 1, N), jnp.float32),
            jax.ShapeDtypeStruct((B, 1, K), jnp.int32),
            jax.ShapeDtypeStruct((B, 1, K), jnp.int32),
        ],
    )


def _make_sc_gather(R, D, NC, NS):
    NW = NC * NS
    rows_per_w = R // NW
    CHUNK = 32
    NBUF = 3
    n_chunks = rows_per_w // CHUNK
    mesh = plsc.VectorSubcoreMesh(core_axis_name="c", subcore_axis_name="s")

    @functools.partial(
        pl.kernel,
        mesh=mesh,
        out_type=jax.ShapeDtypeStruct((R, D), jnp.float32),
        scratch_types=(
            [pltpu.VMEM((n_chunks, CHUNK), jnp.int32)]
            + [pltpu.VMEM((CHUNK, D), jnp.float32) for _ in range(NBUF)]
            + [pltpu.SemaphoreType.DMA for _ in range(2 * NBUF)]
        ),
    )
    def gather_k(table_hbm, idx_hbm, out_hbm, idx_v, *rest):
        bufs, sems = rest[:NBUF], rest[NBUF:]
        gsems, osems = sems[:NBUF], sems[NBUF:]
        wid = lax.axis_index("s") * NC + lax.axis_index("c")
        base = wid * rows_per_w
        pltpu.sync_copy(idx_hbm.at[pl.ds(wid * n_chunks, n_chunks)], idx_v)
        g = [None] * n_chunks
        o = [None] * n_chunks
        for c in range(n_chunks):
            s = c % NBUF
            if c >= NBUF:
                o[c - NBUF].wait()
            g[c] = pltpu.async_copy(table_hbm.at[idx_v.at[c]], bufs[s],
                                    gsems[s])
            if c >= 1:
                sp = (c - 1) % NBUF
                g[c - 1].wait()
                o[c - 1] = pltpu.async_copy(
                    bufs[sp], out_hbm.at[pl.ds(base + (c - 1) * CHUNK, CHUNK)],
                    osems[sp])
        g[n_chunks - 1].wait()
        o[n_chunks - 1] = pltpu.async_copy(
            bufs[(n_chunks - 1) % NBUF],
            out_hbm.at[pl.ds(base + (n_chunks - 1) * CHUNK, CHUNK)],
            osems[(n_chunks - 1) % NBUF])
        for c in range(max(0, n_chunks - NBUF), n_chunks):
            o[c].wait()

    return gather_k


def kernel(x):
    B, N, D = x.shape
    mask_ratio = float(max(0.0, min(1.0, MASK_RATIO_)))
    K = int(round((1.0 - mask_ratio) * N))
    K = max(1, min(N, K))

    noise = _shuffle_noise(B, N)

    CH = 1024
    restore3, mask3, vis3, visg3 = _make_rank_call(B, N, K, CH)(
        noise[:, None, :])
    restore = restore3.reshape(B, N)
    mask = mask3.reshape(B, N)
    vis = vis3.reshape(B, K)
    visg = visg3.reshape(B, K)

    info = plsc.get_sparse_core_info()
    gather_k = _make_sc_gather(B * K, D, info.num_cores, info.num_subcores)
    idx_flat = visg.reshape(B * K // 32, 32)
    x_vis = gather_k(x.reshape(B * N, D), idx_flat).reshape(B, K, D)

    return (x_vis, vis, restore, mask)

# --- scband reference (transcript-rebuilt; emitter-appended) ---
"""Pipeline reference for scband-token-masker-59579786330726 (READ-ONLY COPY).

The authoritative reference and input builder live on the scoring server;
editing this copy changes nothing except your own understanding.
"""

import jax, jax.numpy as jnp
import numpy as np

MASK_RATIO = 0.75


def setup_inputs(seed: int = 0) -> dict:
    key = jax.random.key(seed)
    x = jax.random.normal(key, (4, 4096, 1024), dtype=jnp.float32)
    return {"x": x}


def reference(x):
    B, N = x.shape[0], x.shape[1]
    mask_ratio = float(max(0.0, min(1.0, MASK_RATIO)))
    num_visible = int(round((1.0 - mask_ratio) * N))
    num_visible = max(1, min(N, num_visible))
    # random per-token noise -> shuffle permutation (torch: rand(B,N).argsort(dim=1))
    noise = jax.random.uniform(jax.random.key(42), (B, N))
    shuffled = jnp.argsort(noise, axis=1)
    visible_indices = shuffled[:, :num_visible]
    restore_indices = jnp.argsort(shuffled, axis=1)
    mask = jnp.ones((B, N), dtype=jnp.float32)
    mask = mask.at[:, :num_visible].set(0.0)
    mask = jnp.take_along_axis(mask, restore_indices, axis=1)
    mask = mask.astype(jnp.float32)
    # mask_with_indices: gather visible tokens (B, K, D)
    idx = jnp.broadcast_to(visible_indices[:, :, None], (B, num_visible, x.shape[2]))
    x_visible = jnp.take_along_axis(x, idx, axis=1)
    return (x_visible, visible_indices, restore_indices, mask)

if __name__ == "__main__":
    import jax
    _d = setup_inputs()
    print(jax.jit(kernel)(*tuple(_d.values())))

</pallas_src>

<mosaic_0001>
#map = affine_map<(d0, d1) -> (0, 0)>
module attributes {stable_mosaic.version = 14 : i64} {
  func.func @gather_k(%arg0: i32, %arg1: i32, %arg2: memref<16384x1024xf32, #tpu.memory_space<hbm>>, %arg3: memref<128x32xi32, #tpu.memory_space<hbm>>, %arg4: memref<4096x1024xf32, #tpu.memory_space<hbm>>, %arg5: memref<4x32xi32, #tpu.memory_space<vmem>>, %arg6: memref<32x1024xf32, #tpu.memory_space<vmem>>, %arg7: memref<32x1024xf32, #tpu.memory_space<vmem>>, %arg8: memref<32x1024xf32, #tpu.memory_space<vmem>>, %arg9: memref<!tpu.dma_semaphore, #tpu.memory_space<semaphore_mem>>, %arg10: memref<!tpu.dma_semaphore, #tpu.memory_space<semaphore_mem>>, %arg11: memref<!tpu.dma_semaphore, #tpu.memory_space<semaphore_mem>>, %arg12: memref<!tpu.dma_semaphore, #tpu.memory_space<semaphore_mem>>, %arg13: memref<!tpu.dma_semaphore, #tpu.memory_space<semaphore_mem>>, %arg14: memref<!tpu.dma_semaphore, #tpu.memory_space<semaphore_mem>>) attributes {dimension_semantics = [#tpu.dimension_semantics<core_parallel>, #tpu.dimension_semantics<subcore_parallel>], iteration_bounds = array<i64: 2, 16>, scalar_prefetch = 0 : i64, scratch_operands = 10 : i64, tpu.core_type = #tpu.core_type<sc_vector_subcore>, window_params = [{transform_indices = #map}, {transform_indices = #map}, {transform_indices = #map}]} {
    %mul3A = arith.constant 2 : i32
    %mul3A_0 = arith.muli %arg1, %mul3A : i32
    %add3A = arith.addi %mul3A_0, %arg0 : i32
    %mul3A_1 = arith.constant 128 : i32
    %mul3A_2 = arith.muli %add3A, %mul3A_1 : i32
    %mul3A_3 = arith.constant 4 : i32
    %mul3A_4 = arith.muli %add3A, %mul3A_3 : i32
    "tpu.region"() ({
      %run_scoped3A = tpu.sem_alloc : memref<!tpu.dma_semaphore, #tpu.memory_space<semaphore_mem>>
      %dma_start3A_99 = arith.constant 0 : i32
      %dma_start3A_100 = tpu.memref_slice %arg3[%mul3A_4, %dma_start3A_99] : memref<128x32xi32, #tpu.memory_space<hbm>> -> memref<4x32xi32, #tpu.memory_space<hbm>>
      %dma_start3A_101 = arith.constant 0 : i32
      %dma_start3A_102 = tpu.memref_slice %arg3[%mul3A_4, %dma_start3A_101] : memref<128x32xi32, #tpu.memory_space<hbm>> -> memref<4x32xi32, #tpu.memory_space<hbm>>
      tpu.enqueue_dma source(%dma_start3A_102 : memref<4x32xi32, #tpu.memory_space<hbm>>) target(%arg5 : memref<4x32xi32, #tpu.memory_space<vmem>>) target_semaphore(%run_scoped3A : memref<!tpu.dma_semaphore, #tpu.memory_space<semaphore_mem>>)
      %dma_wait3A_103 = arith.constant 0 : i32
      %dma_wait3A_104 = tpu.memref_slice %arg3[%mul3A_4, %dma_wait3A_103] : memref<128x32xi32, #tpu.memory_space<hbm>> -> memref<4x32xi32, #tpu.memory_space<hbm>>
      %dma_wait3A_105 = arith.constant 0 : i32
      %dma_wait3A_106 = tpu.memref_slice %arg3[%mul3A_4, %dma_wait3A_105] : memref<128x32xi32, #tpu.memory_space<hbm>> -> memref<4x32xi32, #tpu.memory_space<hbm>>
      tpu.wait_dma2 semaphore(%run_scoped3A : memref<!tpu.dma_semaphore, #tpu.memory_space<semaphore_mem>>) src(%dma_wait3A_106 : memref<4x32xi32, #tpu.memory_space<hbm>>) dst(%arg5 : memref<4x32xi32, #tpu.memory_space<vmem>>)
      tpu.yield
    }) : () -> ()
    %dma_start3A = arith.constant 0 : i32
    %dma_start3A_5 = arith.constant 0 : i32
    %dma_start3A_6 = tpu.memref_slice %arg5[%dma_start3A, %dma_start3A_5] : memref<4x32xi32, #tpu.memory_space<vmem>> -> memref<1x32xi32, #tpu.memory_space<vmem>>
    %dma_start3A_7 = tpu.memref_squeeze %dma_start3A_6 : memref<1x32xi32, #tpu.memory_space<vmem>> -> memref<32xi32, #tpu.memory_space<vmem>>
    %dma_start3A_8 = arith.constant 0 : i32
    %dma_start3A_9 = arith.constant 0 : i32
    %dma_start3A_10 = tpu.memref_slice %arg2[%dma_start3A_8, %dma_start3A_9] : memref<16384x1024xf32, #tpu.memory_space<hbm>> -> memref<16384x1024xf32, #tpu.memory_space<hbm>>
    tpu.enqueue_indirect_dma source(%dma_start3A_10 : memref<16384x1024xf32, #tpu.memory_space<hbm>>) target(%arg6 : memref<32x1024xf32, #tpu.memory_space<vmem>>) offsets(%dma_start3A_7 : memref<32xi32, #tpu.memory_space<vmem>>) semaphore(%arg9 : memref<!tpu.dma_semaphore, #tpu.memory_space<semaphore_mem>>)
    %dma_start3A_11 = arith.constant 1 : i32
    %dma_start3A_12 = arith.constant 0 : i32
    %dma_start3A_13 = tpu.memref_slice %arg5[%dma_start3A_11, %dma_start3A_12] : memref<4x32xi32, #tpu.memory_space<vmem>> -> memref<1x32xi32, #tpu.memory_space<vmem>>
    %dma_start3A_14 = tpu.memref_squeeze %dma_start3A_13 : memref<1x32xi32, #tpu.memory_space<vmem>> -> memref<32xi32, #tpu.memory_space<vmem>>
    %dma_start3A_15 = arith.constant 0 : i32
    %dma_start3A_16 = arith.constant 0 : i32
    %dma_start3A_17 = tpu.memref_slice %arg2[%dma_start3A_15, %dma_start3A_16] : memref<16384x1024xf32, #tpu.memory_space<hbm>> -> memref<16384x1024xf32, #tpu.memory_space<hbm>>
    tpu.enqueue_indirect_dma source(%dma_start3A_17 : memref<16384x1024xf32, #tpu.memory_space<hbm>>) target(%arg7 : memref<32x1024xf32, #tpu.memory_space<vmem>>) offsets(%dma_start3A_14 : memref<32xi32, #tpu.memory_space<vmem>>) semaphore(%arg10 : memref<!tpu.dma_semaphore, #tpu.memory_space<semaphore_mem>>)
    %dma_wait3A = arith.constant 0 : i32
    %dma_wait3A_18 = arith.constant 0 : i32
    %dma_wait3A_19 = tpu.memref_slice %arg5[%dma_wait3A, %dma_wait3A_18] : memref<4x32xi32, #tpu.memory_space<vmem>> -> memref<1x32xi32, #tpu.memory_space<vmem>>
    %dma_wait3A_20 = tpu.memref_squeeze %dma_wait3A_19 : memref<1x32xi32, #tpu.memory_space<vmem>> -> memref<32xi32, #tpu.memory_space<vmem>>
    %dma_wait3A_21 = arith.constant 0 : i32
    %dma_wait3A_22 = arith.constant 0 : i32
    %dma_wait3A_23 = tpu.memref_slice %arg2[%dma_wait3A_21, %dma_wait3A_22] : memref<16384x1024xf32, #tpu.memory_space<hbm>> -> memref<16384x1024xf32, #tpu.memory_space<hbm>>
    tpu.wait_indirect_dma semaphore(%arg9 : memref<!tpu.dma_semaphore, #tpu.memory_space<semaphore_mem>>) src(%dma_wait3A_23 : memref<16384x1024xf32, #tpu.memory_space<hbm>>) dst(%arg6 : memref<32x1024xf32, #tpu.memory_space<vmem>>)
    %add3A_24 = arith.constant 0 : i32
    %add3A_25 = arith.addi %mul3A_2, %add3A_24 : i32
    %dma_start3A_26 = arith.constant 0 : i32
    %dma_start3A_27 = tpu.memref_slice %arg4[%add3A_25, %dma_start3A_26] : memref<4096x1024xf32, #tpu.memory_space<hbm>> -> memref<32x1024xf32, #tpu.memory_space<hbm>>
    %dma_start3A_28 = arith.constant 0 : i32
    %dma_start3A_29 = tpu.memref_slice %arg4[%add3A_25, %dma_start3A_28] : memref<4096x1024xf32, #tpu.memory_space<hbm>> -> memref<32x1024xf32, #tpu.memory_space<hbm>>
    tpu.enqueue_dma source(%arg6 : memref<32x1024xf32, #tpu.memory_space<vmem>>) target(%dma_start3A_29 : memref<32x1024xf32, #tpu.memory_space<hbm>>) target_semaphore(%arg12 : memref<!tpu.dma_semaphore, #tpu.memory_space<semaphore_mem>>)
    %dma_start3A_30 = arith.constant 2 : i32
    %dma_start3A_31 = arith.constant 0 : i32
    %dma_start3A_32 = tpu.memref_slice %arg5[%dma_start3A_30, %dma_start3A_31] : memref<4x32xi32, #tpu.memory_space<vmem>> -> memref<1x32xi32, #tpu.memory_space<vmem>>
    %dma_start3A_33 = tpu.memref_squeeze %dma_start3A_32 : memref<1x32xi32, #tpu.memory_space<vmem>> -> memref<32xi32, #tpu.memory_space<vmem>>
    %dma_start3A_34 = arith.constant 0 : i32
    %dma_start3A_35 = arith.constant 0 : i32
    %dma_start3A_36 = tpu.memref_slice %arg2[%dma_start3A_34, %dma_start3A_35] : memref<16384x1024xf32, #tpu.memory_space<hbm>> -> memref<16384x1024xf32, #tpu.memory_space<hbm>>
    tpu.enqueue_indirect_dma source(%dma_start3A_36 : memref<16384x1024xf32, #tpu.memory_space<hbm>>) target(%arg8 : memref<32x1024xf32, #tpu.memory_space<vmem>>) offsets(%dma_start3A_33 : memref<32xi32, #tpu.memory_space<vmem>>) semaphore(%arg11 : memref<!tpu.dma_semaphore, #tpu.memory_space<semaphore_mem>>)
    %dma_wait3A_37 = arith.constant 1 : i32
    %dma_wait3A_38 = arith.constant 0 : i32
    %dma_wait3A_39 = tpu.memref_slice %arg5[%dma_wait3A_37, %dma_wait3A_38] : memref<4x32xi32, #tpu.memory_space<vmem>> -> memref<1x32xi32, #tpu.memory_space<vmem>>
    %dma_wait3A_40 = tpu.memref_squeeze %dma_wait3A_39 : memref<1x32xi32, #tpu.memory_space<vmem>> -> memref<32xi32, #tpu.memory_space<vmem>>
    %dma_wait3A_41 = arith.constant 0 : i32
    %dma_wait3A_42 = arith.constant 0 : i32
    %dma_wait3A_43 = tpu.memref_slice %arg2[%dma_wait3A_41, %dma_wait3A_42] : memref<16384x1024xf32, #tpu.memory_space<hbm>> -> memref<16384x1024xf32, #tpu.memory_space<hbm>>
    tpu.wait_indirect_dma semaphore(%arg10 : memref<!tpu.dma_semaphore, #tpu.memory_space<semaphore_mem>>) src(%dma_wait3A_43 : memref<16384x1024xf32, #tpu.memory_space<hbm>>) dst(%arg7 : memref<32x1024xf32, #tpu.memory_space<vmem>>)
    %add3A_44 = arith.constant 32 : i32
    %add3A_45 = arith.addi %mul3A_2, %add3A_44 : i32
    %dma_start3A_46 = arith.constant 0 : i32
    %dma_start3A_47 = tpu.memref_slice %arg4[%add3A_45, %dma_start3A_46] : memref<4096x1024xf32, #tpu.memory_space<hbm>> -> memref<32x1024xf32, #tpu.memory_space<hbm>>
    %dma_start3A_48 = arith.constant 0 : i32
    %dma_start3A_49 = tpu.memref_slice %arg4[%add3A_45, %dma_start3A_48] : memref<4096x1024xf32, #tpu.memory_space<hbm>> -> memref<32x1024xf32, #tpu.memory_space<hbm>>
    tpu.enqueue_dma source(%arg7 : memref<32x1024xf32, #tpu.memory_space<vmem>>) target(%dma_start3A_49 : memref<32x1024xf32, #tpu.memory_space<hbm>>) target_semaphore(%arg13 : memref<!tpu.dma_semaphore, #tpu.memory_space<semaphore_mem>>)
    %dma_wait3A_50 = arith.constant 0 : i32
    %dma_wait3A_51 = tpu.memref_slice %arg4[%add3A_25, %dma_wait3A_50] : memref<4096x1024xf32, #tpu.memory_space<hbm>> -> memref<32x1024xf32, #tpu.memory_space<hbm>>
    %dma_wait3A_52 = arith.constant 0 : i32
    %dma_wait3A_53 = tpu.memref_slice %arg4[%add3A_25, %dma_wait3A_52] : memref<4096x1024xf32, #tpu.memory_space<hbm>> -> memref<32x1024xf32, #tpu.memory_space<hbm>>
    tpu.wait_dma2 semaphore(%arg12 : memref<!tpu.dma_semaphore, #tpu.memory_space<semaphore_mem>>) src(%arg6 : memref<32x1024xf32, #tpu.memory_space<vmem>>) dst(%dma_wait3A_53 : memref<32x1024xf32, #tpu.memory_space<hbm>>)
    %dma_start3A_54 = arith.constant 3 : i32
    %dma_start3A_55 = arith.constant 0 : i32
    %dma_start3A_56 = tpu.memref_slice %arg5[%dma_start3A_54, %dma_start3A_55] : memref<4x32xi32, #tpu.memory_space<vmem>> -> memref<1x32xi32, #tpu.memory_space<vmem>>
    %dma_start3A_57 = tpu.memref_squeeze %dma_start3A_56 : memref<1x32xi32, #tpu.memory_space<vmem>> -> memref<32xi32, #tpu.memory_space<vmem>>
    %dma_start3A_58 = arith.constant 0 : i32
    %dma_start3A_59 = arith.constant 0 : i32
    %dma_start3A_60 = tpu.memref_slice %arg2[%dma_start3A_58, %dma_start3A_59] : memref<16384x1024xf32, #tpu.memory_space<hbm>> -> memref<16384x1024xf32, #tpu.memory_space<hbm>>
    tpu.enqueue_indirect_dma source(%dma_start3A_60 : memref<16384x1024xf32, #tpu.memory_space<hbm>>) target(%arg6 : memref<32x1024xf32, #tpu.memory_space<vmem>>) offsets(%dma_start3A_57 : memref<32xi32, #tpu.memory_space<vmem>>) semaphore(%arg9 : memref<!tpu.dma_semaphore, #tpu.memory_space<semaphore_mem>>)
    %dma_wait3A_61 = arith.constant 2 : i32
    %dma_wait3A_62 = arith.constant 0 : i32
    %dma_wait3A_63 = tpu.memref_slice %arg5[%dma_wait3A_61, %dma_wait3A_62] : memref<4x32xi32, #tpu.memory_space<vmem>> -> memref<1x32xi32, #tpu.memory_space<vmem>>
    %dma_wait3A_64 = tpu.memref_squeeze %dma_wait3A_63 : memref<1x32xi32, #tpu.memory_space<vmem>> -> memref<32xi32, #tpu.memory_space<vmem>>
    %dma_wait3A_65 = arith.constant 0 : i32
    %dma_wait3A_66 = arith.constant 0 : i32
    %dma_wait3A_67 = tpu.memref_slice %arg2[%dma_wait3A_65, %dma_wait3A_66] : memref<16384x1024xf32, #tpu.memory_space<hbm>> -> memref<16384x1024xf32, #tpu.memory_space<hbm>>
    tpu.wait_indirect_dma semaphore(%arg11 : memref<!tpu.dma_semaphore, #tpu.memory_space<semaphore_mem>>) src(%dma_wait3A_67 : memref<16384x1024xf32, #tpu.memory_space<hbm>>) dst(%arg8 : memref<32x1024xf32, #tpu.memory_space<vmem>>)
    %add3A_68 = arith.constant 64 : i32
    %add3A_69 = arith.addi %mul3A_2, %add3A_68 : i32
    %dma_start3A_70 = arith.constant 0 : i32
    %dma_start3A_71 = tpu.memref_slice %arg4[%add3A_69, %dma_start3A_70] : memref<4096x1024xf32, #tpu.memory_space<hbm>> -> memref<32x1024xf32, #tpu.memory_space<hbm>>
    %dma_start3A_72 = arith.constant 0 : i32
    %dma_start3A_73 = tpu.memref_slice %arg4[%add3A_69, %dma_start3A_72] : memref<4096x1024xf32, #tpu.memory_space<hbm>> -> memref<32x1024xf32, #tpu.memory_space<hbm>>
    tpu.enqueue_dma source(%arg8 : memref<32x1024xf32, #tpu.memory_space<vmem>>) target(%dma_start3A_73 : memref<32x1024xf32, #tpu.memory_space<hbm>>) target_semaphore(%arg14 : memref<!tpu.dma_semaphore, #tpu.memory_space<semaphore_mem>>)
    %dma_wait3A_74 = arith.constant 3 : i32
    %dma_wait3A_75 = arith.constant 0 : i32
    %dma_wait3A_76 = tpu.memref_slice %arg5[%dma_wait3A_74, %dma_wait3A_75] : memref<4x32xi32, #tpu.memory_space<vmem>> -> memref<1x32xi32, #tpu.memory_space<vmem>>
    %dma_wait3A_77 = tpu.memref_squeeze %dma_wait3A_76 : memref<1x32xi32, #tpu.memory_space<vmem>> -> memref<32xi32, #tpu.memory_space<vmem>>
    %dma_wait3A_78 = arith.constant 0 : i32
    %dma_wait3A_79 = arith.constant 0 : i32
    %dma_wait3A_80 = tpu.memref_slice %arg2[%dma_wait3A_78, %dma_wait3A_79] : memref<16384x1024xf32, #tpu.memory_space<hbm>> -> memref<16384x1024xf32, #tpu.memory_space<hbm>>
    tpu.wait_indirect_dma semaphore(%arg9 : memref<!tpu.dma_semaphore, #tpu.memory_space<semaphore_mem>>) src(%dma_wait3A_80 : memref<16384x1024xf32, #tpu.memory_space<hbm>>) dst(%arg6 : memref<32x1024xf32, #tpu.memory_space<vmem>>)
    %add3A_81 = arith.constant 96 : i32
    %add3A_82 = arith.addi %mul3A_2, %add3A_81 : i32
    %dma_start3A_83 = arith.constant 0 : i32
    %dma_start3A_84 = tpu.memref_slice %arg4[%add3A_82, %dma_start3A_83] : memref<4096x1024xf32, #tpu.memory_space<hbm>> -> memref<32x1024xf32, #tpu.memory_space<hbm>>
    %dma_start3A_85 = arith.constant 0 : i32
    %dma_start3A_86 = tpu.memref_slice %arg4[%add3A_82, %dma_start3A_85] : memref<4096x1024xf32, #tpu.memory_space<hbm>> -> memref<32x1024xf32, #tpu.memory_space<hbm>>
    tpu.enqueue_dma source(%arg6 : memref<32x1024xf32, #tpu.memory_space<vmem>>) target(%dma_start3A_86 : memref<32x1024xf32, #tpu.memory_space<hbm>>) target_semaphore(%arg12 : memref<!tpu.dma_semaphore, #tpu.memory_space<semaphore_mem>>)
    %dma_wait3A_87 = arith.constant 0 : i32
    %dma_wait3A_88 = tpu.memref_slice %arg4[%add3A_45, %dma_wait3A_87] : memref<4096x1024xf32, #tpu.memory_space<hbm>> -> memref<32x1024xf32, #tpu.memory_space<hbm>>
    %dma_wait3A_89 = arith.constant 0 : i32
    %dma_wait3A_90 = tpu.memref_slice %arg4[%add3A_45, %dma_wait3A_89] : memref<4096x1024xf32, #tpu.memory_space<hbm>> -> memref<32x1024xf32, #tpu.memory_space<hbm>>
    tpu.wait_dma2 semaphore(%arg13 : memref<!tpu.dma_semaphore, #tpu.memory_space<semaphore_mem>>) src(%arg7 : memref<32x1024xf32, #tpu.memory_space<vmem>>) dst(%dma_wait3A_90 : memref<32x1024xf32, #tpu.memory_space<hbm>>)
    %dma_wait3A_91 = arith.constant 0 : i32
    %dma_wait3A_92 = tpu.memref_slice %arg4[%add3A_69, %dma_wait3A_91] : memref<4096x1024xf32, #tpu.memory_space<hbm>> -> memref<32x1024xf32, #tpu.memory_space<hbm>>
    %dma_wait3A_93 = arith.constant 0 : i32
    %dma_wait3A_94 = tpu.memref_slice %arg4[%add3A_69, %dma_wait3A_93] : memref<4096x1024xf32, #tpu.memory_space<hbm>> -> memref<32x1024xf32, #tpu.memory_space<hbm>>
    tpu.wait_dma2 semaphore(%arg14 : memref<!tpu.dma_semaphore, #tpu.memory_space<semaphore_mem>>) src(%arg8 : memref<32x1024xf32, #tpu.memory_space<vmem>>) dst(%dma_wait3A_94 : memref<32x1024xf32, #tpu.memory_space<hbm>>)
    %dma_wait3A_95 = arith.constant 0 : i32
    %dma_wait3A_96 = tpu.memref_slice %arg4[%add3A_82, %dma_wait3A_95] : memref<4096x1024xf32, #tpu.memory_space<hbm>> -> memref<32x1024xf32, #tpu.memory_space<hbm>>
    %dma_wait3A_97 = arith.constant 0 : i32
    %dma_wait3A_98 = tpu.memref_slice %arg4[%add3A_82, %dma_wait3A_97] : memref<4096x1024xf32, #tpu.memory_space<hbm>> -> memref<32x1024xf32, #tpu.memory_space<hbm>>
    tpu.wait_dma2 semaphore(%arg12 : memref<!tpu.dma_semaphore, #tpu.memory_space<semaphore_mem>>) src(%arg6 : memref<32x1024xf32, #tpu.memory_space<vmem>>) dst(%dma_wait3A_98 : memref<32x1024xf32, #tpu.memory_space<hbm>>)
    return
  }
}

module attributes {stable_mosaic.version = 14 : i64} {
  func.func @_rank_kernel_body(%arg0: i32, %arg1: memref<1x1x4096xf32, #tpu.memory_space<vmem>>, %arg2: memref<1x1x4096xi32, #tpu.memory_space<vmem>>, %arg3: memref<1x1x4096xf32, #tpu.memory_space<vmem>>, %arg4: memref<1x1x1024xi32, #tpu.memory_space<vmem>>, %arg5: memref<1x1x1024xi32, #tpu.memory_space<vmem>>) attributes {dimension_semantics = [#tpu.dimension_semantics<arbitrary>], iteration_bounds = array<i64: 4>, scalar_prefetch = 0 : i64, scratch_operands = 0 : i64, tpu.core_type = #tpu.core_type<tc>, window_params = [{transform_indices = @transform_0, window_bounds = array<i64: 1, 1, 4096>}, {transform_indices = @transform_1, window_bounds = array<i64: 1, 1, 4096>}, {transform_indices = @transform_2, window_bounds = array<i64: 1, 1, 4096>}, {transform_indices = @transform_3, window_bounds = array<i64: 1, 1, 1024>}, {transform_indices = @transform_4, window_bounds = array<i64: 1, 1, 1024>}]} {
    %get3A = arith.constant 0 : index
    %get3A_0 = arith.constant 0 : index
    %get3A_1 = arith.constant 0 : index
    %get3A_2 = vector.load %arg1[%get3A, %get3A_0, %get3A_1] : memref<1x1x4096xf32, #tpu.memory_space<vmem>>, vector<1x1x4096xf32>
    %get3A_3 = vector.shape_cast %get3A_2 : vector<1x1x4096xf32> to vector<1x4096xf32>
    %broadcast_in_dim3A = arith.constant 0 : i32
    %broadcast_in_dim3A_4 = vector.broadcast %broadcast_in_dim3A : i32 to vector<1x1024xi32>
    %slice3A = vector.extract_strided_slice %get3A_3 {offsets = [0, 0], sizes = [1, 1024], strides = [1, 1]} : vector<1x4096xf32> to vector<1x1024xf32>
    %transpose3A = tpu.transpose %slice3A, [1, 0] : vector<1x1024xf32> -> vector<1024x1xf32>
    %broadcast_in_dim3A_5 = arith.constant 0.000000e+00 : f32
    %broadcast_in_dim3A_6 = vector.broadcast %broadcast_in_dim3A_5 : f32 to vector<1024x1xf32>
    %slice3A_7 = vector.extract_strided_slice %get3A_3 {offsets = [0, 1024], sizes = [1, 3072], strides = [1, 1]} : vector<1x4096xf32> to vector<1x3072xf32>
    %lt3A = vector.broadcast %slice3A_7 : vector<1x3072xf32> to vector<1024x3072xf32>
    %lt3A_8 = vector.broadcast %transpose3A : vector<1024x1xf32> to vector<1024x3072xf32>
    %lt3A_9 = arith.cmpf olt, %lt3A, %lt3A_8 : vector<1024x3072xf32>
    %convert_element_type3A = arith.extui %lt3A_9 : vector<1024x3072xi1> to vector<1024x3072xi32>
    %convert_element_type3A_10 = arith.sitofp %convert_element_type3A : vector<1024x3072xi32> to vector<1024x3072xf32>
    %broadcast_in_dim3A_11 = arith.constant 1.000000e+00 : f32
    %broadcast_in_dim3A_12 = vector.broadcast %broadcast_in_dim3A_11 : f32 to vector<3072x1xf32>
    %dot_general3A = arith.constant dense<0.000000e+00> : vector<1024x1xf32>
    %dot_general3A_13 = tpu.matmul %convert_element_type3A_10, %broadcast_in_dim3A_12, %dot_general3A {dimension_numbers = #tpu.dot_dimension_numbers<[1], [0], [0], [1], [0, 0, 1, 1], [], []>, transpose_lhs_hint = false} : vector<1024x3072xf32>, vector<3072x1xf32>, vector<1024x1xf32> -> vector<1024x1xf32>
    %add3A = arith.addf %broadcast_in_dim3A_6, %dot_general3A_13 : vector<1024x1xf32>
    %slice3A_14 = vector.extract_strided_slice %get3A_3 {offsets = [0, 0], sizes = [1, 1024], strides = [1, 1]} : vector<1x4096xf32> to vector<1x1024xf32>
    %iota3A = tpu.iota {dimensions = array<i32: 1>} : vector<1024x1024xi32>
    %iota3A_15 = tpu.iota {dimensions = array<i32: 0>} : vector<1024x1024xi32>
    %lt3A_16 = vector.broadcast %slice3A_14 : vector<1x1024xf32> to vector<1024x1024xf32>
    %lt3A_17 = vector.broadcast %transpose3A : vector<1024x1xf32> to vector<1024x1024xf32>
    %lt3A_18 = arith.cmpf olt, %lt3A_16, %lt3A_17 : vector<1024x1024xf32>
    %eq3A = vector.broadcast %slice3A_14 : vector<1x1024xf32> to vector<1024x1024xf32>
    %eq3A_19 = vector.broadcast %transpose3A : vector<1024x1xf32> to vector<1024x1024xf32>
    %eq3A_20 = arith.cmpf oeq, %eq3A, %eq3A_19 : vector<1024x1024xf32>
    %lt3A_21 = arith.cmpi slt, %iota3A, %iota3A_15 : vector<1024x1024xi32>
    %and3A = arith.andi %eq3A_20, %lt3A_21 : vector<1024x1024xi1>
    %or3A = arith.ori %lt3A_18, %and3A : vector<1024x1024xi1>
    %convert_element_type3A_22 = arith.extui %or3A : vector<1024x1024xi1> to vector<1024x1024xi32>
    %convert_element_type3A_23 = arith.sitofp %convert_element_type3A_22 : vector<1024x1024xi32> to vector<1024x1024xf32>
    %broadcast_in_dim3A_24 = arith.constant 1.000000e+00 : f32
    %broadcast_in_dim3A_25 = vector.broadcast %broadcast_in_dim3A_24 : f32 to vector<1024x1xf32>
    %dot_general3A_26 = arith.constant dense<0.000000e+00> : vector<1024x1xf32>
    %dot_general3A_27 = tpu.matmul %convert_element_type3A_23, %broadcast_in_dim3A_25, %dot_general3A_26 {dimension_numbers = #tpu.dot_dimension_numbers<[1], [0], [0], [1], [0, 0, 1, 1], [], []>, transpose_lhs_hint = false} : vector<1024x1024xf32>, vector<1024x1xf32>, vector<1024x1xf32> -> vector<1024x1xf32>
    %add3A_28 = arith.addf %add3A, %dot_general3A_27 : vector<1024x1xf32>
    %convert_element_type3A_29 = arith.fptosi %add3A_28 : vector<1024x1xf32> to vector<1024x1xi32>
    %transpose3A_30 = tpu.transpose %convert_element_type3A_29, [1, 0] : vector<1024x1xi32> -> vector<1x1024xi32>
    %swap3A = arith.constant 0 : index
    %swap3A_31 = arith.constant 0 : index
    %swap3A_32 = arith.constant 0 : index
    %swap3A_33 = vector.load %arg2[%swap3A, %swap3A_31, %swap3A_32] : memref<1x1x4096xi32, #tpu.memory_space<vmem>>, vector<1x1x1024xi32>
    %swap3A_34 = vector.shape_cast %swap3A_33 : vector<1x1x1024xi32> to vector<1x1024xi32>
    %swap3A_35 = vector.shape_cast %transpose3A_30 : vector<1x1024xi32> to vector<1x1x1024xi32>
    tpu.vector_store %arg2[%swap3A, %swap3A_31, %swap3A_32], %swap3A_35 {strides = array<i32>} : memref<1x1x4096xi32, #tpu.memory_space<vmem>>, vector<1x1x1024xi32>,
    %ge3A = arith.constant 1024 : i32
    %ge3A_36 = vector.broadcast %ge3A : i32 to vector<1x1024xi32>
    %ge3A_37 = arith.cmpi sge, %transpose3A_30, %ge3A_36 : vector<1x1024xi32>
    %convert_element_type3A_38 = arith.extui %ge3A_37 : vector<1x1024xi1> to vector<1x1024xi32>
    %convert_element_type3A_39 = arith.sitofp %convert_element_type3A_38 : vector<1x1024xi32> to vector<1x1024xf32>
    %swap3A_40 = arith.constant 0 : index
    %swap3A_41 = arith.constant 0 : index
    %swap3A_42 = arith.constant 0 : index
    %swap3A_43 = vector.load %arg3[%swap3A_40, %swap3A_41, %swap3A_42] : memref<1x1x4096xf32, #tpu.memory_space<vmem>>, vector<1x1x1024xf32>
    %swap3A_44 = vector.shape_cast %swap3A_43 : vector<1x1x1024xf32> to vector<1x1024xf32>
    %swap3A_45 = vector.shape_cast %convert_element_type3A_39 : vector<1x1024xf32> to vector<1x1x1024xf32>
    tpu.vector_store %arg3[%swap3A_40, %swap3A_41, %swap3A_42], %swap3A_45 {strides = array<i32>} : memref<1x1x4096xf32, #tpu.memory_space<vmem>>, vector<1x1x1024xf32>,
    %iota3A_46 = tpu.iota {dimensions = array<i32: 1>} : vector<1024x1024xi32>
    %iota3A_47 = tpu.iota {dimensions = array<i32: 0>} : vector<1024x1024xi32>
    %add3A_48 = arith.constant 0 : i32
    %add3A_49 = vector.broadcast %add3A_48 : i32 to vector<1024x1024xi32>
    %add3A_50 = arith.addi %add3A_49, %iota3A_47 : vector<1024x1024xi32>
    %eq3A_51 = vector.broadcast %convert_element_type3A_29 : vector<1024x1xi32> to vector<1024x1024xi32>
    %eq3A_52 = arith.cmpi eq, %eq3A_51, %iota3A_46 : vector<1024x1024xi32>
    %jit3A = arith.constant 0 : i32
    %broadcast_in_dim3A_53 = vector.broadcast %jit3A : i32 to vector<1024x1024xi32>
    %select_n3A = arith.select %eq3A_52, %add3A_50, %broadcast_in_dim3A_53 : vector<1024x1024xi1>, vector<1024x1024xi32>
    %reduce_sum3A = arith.constant dense<0> : vector<1024xi32>
    %reduce_sum3A_54 = vector.multi_reduction <add>, %select_n3A, %reduce_sum3A [0] : vector<1024x1024xi32> to vector<1024xi32>
    %broadcast_in_dim3A_55 = vector.shape_cast %reduce_sum3A_54 : vector<1024xi32> to vector<1x1024xi32>
    %add3A_56 = arith.addi %broadcast_in_dim3A_4, %broadcast_in_dim3A_55 : vector<1x1024xi32>
    %slice3A_57 = vector.extract_strided_slice %get3A_3 {offsets = [0, 1024], sizes = [1, 1024], strides = [1, 1]} : vector<1x4096xf32> to vector<1x1024xf32>
    %transpose3A_58 = tpu.transpose %slice3A_57, [1, 0] : vector<1x1024xf32> -> vector<1024x1xf32>
    %broadcast_in_dim3A_59 = arith.constant 0.000000e+00 : f32
    %broadcast_in_dim3A_60 = vector.broadcast %broadcast_in_dim3A_59 : f32 to vector<1024x1xf32>
    %slice3A_61 = vector.extract_strided_slice %get3A_3 {offsets = [0, 0], sizes = [1, 1024], strides = [1, 1]} : vector<1x4096xf32> to vector<1x1024xf32>
    %le3A = vector.broadcast %slice3A_61 : vector<1x1024xf32> to vector<1024x1024xf32>
    %le3A_62 = vector.broadcast %transpose3A_58 : vector<1024x1xf32> to vector<1024x1024xf32>
    %le3A_63 = arith.cmpf ole, %le3A, %le3A_62 : vector<1024x1024xf32>
    %convert_element_type3A_64 = arith.extui %le3A_63 : vector<1024x1024xi1> to vector<1024x1024xi32>
    %convert_element_type3A_65 = arith.sitofp %convert_element_type3A_64 : vector<1024x1024xi32> to vector<1024x1024xf32>
    %broadcast_in_dim3A_66 = arith.constant 1.000000e+00 : f32
    %broadcast_in_dim3A_67 = vector.broadcast %broadcast_in_dim3A_66 : f32 to vector<1024x1xf32>
    %dot_general3A_68 = arith.constant dense<0.000000e+00> : vector<1024x1xf32>
    %dot_general3A_69 = tpu.matmul %convert_element_type3A_65, %broadcast_in_dim3A_67, %dot_general3A_68 {dimension_numbers = #tpu.dot_dimension_numbers<[1], [0], [0], [1], [0, 0, 1, 1], [], []>, transpose_lhs_hint = false} : vector<1024x1024xf32>, vector<1024x1xf32>, vector<1024x1xf32> -> vector<1024x1xf32>
    %add3A_70 = arith.addf %broadcast_in_dim3A_60, %dot_general3A_69 : vector<1024x1xf32>
    %slice3A_71 = vector.extract_strided_slice %get3A_3 {offsets = [0, 2048], sizes = [1, 2048], strides = [1, 1]} : vector<1x4096xf32> to vector<1x2048xf32>
    %lt3A_72 = vector.broadcast %slice3A_71 : vector<1x2048xf32> to vector<1024x2048xf32>
    %lt3A_73 = vector.broadcast %transpose3A_58 : vector<1024x1xf32> to vector<1024x2048xf32>
    %lt3A_74 = arith.cmpf olt, %lt3A_72, %lt3A_73 : vector<1024x2048xf32>
    %convert_element_type3A_75 = arith.extui %lt3A_74 : vector<1024x2048xi1> to vector<1024x2048xi32>
    %convert_element_type3A_76 = arith.sitofp %convert_element_type3A_75 : vector<1024x2048xi32> to vector<1024x2048xf32>
    %broadcast_in_dim3A_77 = arith.constant 1.000000e+00 : f32
    %broadcast_in_dim3A_78 = vector.broadcast %broadcast_in_dim3A_77 : f32 to vector<2048x1xf32>
    %dot_general3A_79 = arith.constant dense<0.000000e+00> : vector<1024x1xf32>
    %dot_general3A_80 = tpu.matmul %convert_element_type3A_76, %broadcast_in_dim3A_78, %dot_general3A_79 {dimension_numbers = #tpu.dot_dimension_numbers<[1], [0], [0], [1], [0, 0, 1, 1], [], []>, transpose_lhs_hint = false} : vector<1024x2048xf32>, vector<2048x1xf32>, vector<1024x1xf32> -> vector<1024x1xf32>
    %add3A_81 = arith.addf %add3A_70, %dot_general3A_80 : vector<1024x1xf32>
    %slice3A_82 = vector.extract_strided_slice %get3A_3 {offsets = [0, 1024], sizes = [1, 1024], strides = [1, 1]} : vector<1x4096xf32> to vector<1x1024xf32>
    %iota3A_83 = tpu.iota {dimensions = array<i32: 1>} : vector<1024x1024xi32>
    %iota3A_84 = tpu.iota {dimensions = array<i32: 0>} : vector<1024x1024xi32>
    %lt3A_85 = vector.broadcast %slice3A_82 : vector<1x1024xf32> to vector<1024x1024xf32>
    %lt3A_86 = vector.broadcast %transpose3A_58 : vector<1024x1xf32> to vector<1024x1024xf32>
    %lt3A_87 = arith.cmpf olt, %lt3A_85, %lt3A_86 : vector<1024x1024xf32>
    %eq3A_88 = vector.broadcast %slice3A_82 : vector<1x1024xf32> to vector<1024x1024xf32>
    %eq3A_89 = vector.broadcast %transpose3A_58 : vector<1024x1xf32> to vector<1024x1024xf32>
    %eq3A_90 = arith.cmpf oeq, %eq3A_88, %eq3A_89 : vector<1024x1024xf32>
    %lt3A_91 = arith.cmpi slt, %iota3A_83, %iota3A_84 : vector<1024x1024xi32>
    %and3A_92 = arith.andi %eq3A_90, %lt3A_91 : vector<1024x1024xi1>
    %or3A_93 = arith.ori %lt3A_87, %and3A_92 : vector<1024x1024xi1>
    %convert_element_type3A_94 = arith.extui %or3A_93 : vector<1024x1024xi1> to vector<1024x1024xi32>
    %convert_element_type3A_95 = arith.sitofp %convert_element_type3A_94 : vector<1024x1024xi32> to vector<1024x1024xf32>
    %broadcast_in_dim3A_96 = arith.constant 1.000000e+00 : f32
    %broadcast_in_dim3A_97 = vector.broadcast %broadcast_in_dim3A_96 : f32 to vector<1024x1xf32>
    %dot_general3A_98 = arith.constant dense<0.000000e+00> : vector<1024x1xf32>
    %dot_general3A_99 = tpu.matmul %convert_element_type3A_95, %broadcast_in_dim3A_97, %dot_general3A_98 {dimension_numbers = #tpu.dot_dimension_numbers<[1], [0], [0], [1], [0, 0, 1, 1], [], []>, transpose_lhs_hint = false} : vector<1024x1024xf32>, vector<1024x1xf32>, vector<1024x1xf32> -> vector<1024x1xf32>
    %add3A_100 = arith.addf %add3A_81, %dot_general3A_99 : vector<1024x1xf32>
    %convert_element_type3A_101 = arith.fptosi %add3A_100 : vector<1024x1xf32> to vector<1024x1xi32>
    %transpose3A_102 = tpu.transpose %convert_element_type3A_101, [1, 0] : vector<1024x1xi32> -> vector<1x1024xi32>
    %swap3A_103 = arith.constant 0 : index
    %swap3A_104 = arith.constant 0 : index
    %swap3A_105 = arith.constant 1024 : index
    %swap3A_106 = vector.load %arg2[%swap3A_103, %swap3A_104, %swap3A_105] : memref<1x1x4096xi32, #tpu.memory_space<vmem>>, vector<1x1x1024xi32>
    %swap3A_107 = vector.shape_cast %swap3A_106 : vector<1x1x1024xi32> to vector<1x1024xi32>
    %swap3A_108 = vector.shape_cast %transpose3A_102 : vector<1x1024xi32> to vector<1x1x1024xi32>
    tpu.vector_store %arg2[%swap3A_103, %swap3A_104, %swap3A_105], %swap3A_108 {strides = array<i32>} : memref<1x1x4096xi32, #tpu.memory_space<vmem>>, vector<1x1x1024xi32>,
    %ge3A_109 = arith.constant 1024 : i32
    %ge3A_110 = vector.broadcast %ge3A_109 : i32 to vector<1x1024xi32>
    %ge3A_111 = arith.cmpi sge, %transpose3A_102, %ge3A_110 : vector<1x1024xi32>
    %convert_element_type3A_112 = arith.extui %ge3A_111 : vector<1x1024xi1> to vector<1x1024xi32>
    %convert_element_type3A_113 = arith.sitofp %convert_element_type3A_112 : vector<1x1024xi32> to vector<1x1024xf32>
    %swap3A_114 = arith.constant 0 : index
    %swap3A_115 = arith.constant 0 : index
    %swap3A_116 = arith.constant 1024 : index
    %swap3A_117 = vector.load %arg3[%swap3A_114, %swap3A_115, %swap3A_116] : memref<1x1x4096xf32, #tpu.memory_space<vmem>>, vector<1x1x1024xf32>
    %swap3A_118 = vector.shape_cast %swap3A_117 : vector<1x1x1024xf32> to vector<1x1024xf32>
    %swap3A_119 = vector.shape_cast %convert_element_type3A_113 : vector<1x1024xf32> to vector<1x1x1024xf32>
    tpu.vector_store %arg3[%swap3A_114, %swap3A_115, %swap3A_116], %swap3A_119 {strides = array<i32>} : memref<1x1x4096xf32, #tpu.memory_space<vmem>>, vector<1x1x1024xf32>,
    %iota3A_120 = tpu.iota {dimensions = array<i32: 1>} : vector<1024x1024xi32>
    %iota3A_121 = tpu.iota {dimensions = array<i32: 0>} : vector<1024x1024xi32>
    %add3A_122 = arith.constant 1024 : i32
    %add3A_123 = vector.broadcast %add3A_122 : i32 to vector<1024x1024xi32>
    %add3A_124 = arith.addi %add3A_123, %iota3A_121 : vector<1024x1024xi32>
    %eq3A_125 = vector.broadcast %convert_element_type3A_101 : vector<1024x1xi32> to vector<1024x1024xi32>
    %eq3A_126 = arith.cmpi eq, %eq3A_125, %iota3A_120 : vector<1024x1024xi32>
    %jit3A_127 = arith.constant 0 : i32
    %broadcast_in_dim3A_128 = vector.broadcast %jit3A_127 : i32 to vector<1024x1024xi32>
    %select_n3A_129 = arith.select %eq3A_126, %add3A_124, %broadcast_in_dim3A_128 : vector<1024x1024xi1>, vector<1024x1024xi32>
    %reduce_sum3A_130 = arith.constant dense<0> : vector<1024xi32>
    %reduce_sum3A_131 = vector.multi_reduction <add>, %select_n3A_129, %reduce_sum3A_130 [0] : vector<1024x1024xi32> to vector<1024xi32>
    %broadcast_in_dim3A_132 = vector.shape_cast %reduce_sum3A_131 : vector<1024xi32> to vector<1x1024xi32>
    %add3A_133 = arith.addi %add3A_56, %broadcast_in_dim3A_132 : vector<1x1024xi32>
    %slice3A_134 = vector.extract_strided_slice %get3A_3 {offsets = [0, 2048], sizes = [1, 1024], strides = [1, 1]} : vector<1x4096xf32> to vector<1x1024xf32>
    %transpose3A_135 = tpu.transpose %slice3A_134, [1, 0] : vector<1x1024xf32> -> vector<1024x1xf32>
    %broadcast_in_dim3A_136 = arith.constant 0.000000e+00 : f32
    %broadcast_in_dim3A_137 = vector.broadcast %broadcast_in_dim3A_136 : f32 to vector<1024x1xf32>
    %slice3A_138 = vector.extract_strided_slice %get3A_3 {offsets = [0, 0], sizes = [1, 2048], strides = [1, 1]} : vector<1x4096xf32> to vector<1x2048xf32>
    %le3A_139 = vector.broadcast %slice3A_138 : vector<1x2048xf32> to vector<1024x2048xf32>
    %le3A_140 = vector.broadcast %transpose3A_135 : vector<1024x1xf32> to vector<1024x2048xf32>
    %le3A_141 = arith.cmpf ole, %le3A_139, %le3A_140 : vector<1024x2048xf32>
    %convert_element_type3A_142 = arith.extui %le3A_141 : vector<1024x2048xi1> to vector<1024x2048xi32>
    %convert_element_type3A_143 = arith.sitofp %convert_element_type3A_142 : vector<1024x2048xi32> to vector<1024x2048xf32>
    %broadcast_in_dim3A_144 = arith.constant 1.000000e+00 : f32
    %broadcast_in_dim3A_145 = vector.broadcast %broadcast_in_dim3A_144 : f32 to vector<2048x1xf32>
    %dot_general3A_146 = arith.constant dense<0.000000e+00> : vector<1024x1xf32>
    %dot_general3A_147 = tpu.matmul %convert_element_type3A_143, %broadcast_in_dim3A_145, %dot_general3A_146 {dimension_numbers = #tpu.dot_dimension_numbers<[1], [0], [0], [1], [0, 0, 1, 1], [], []>, transpose_lhs_hint = false} : vector<1024x2048xf32>, vector<2048x1xf32>, vector<1024x1xf32> -> vector<1024x1xf32>
    %add3A_148 = arith.addf %broadcast_in_dim3A_137, %dot_general3A_147 : vector<1024x1xf32>
    %slice3A_149 = vector.extract_strided_slice %get3A_3 {offsets = [0, 3072], sizes = [1, 1024], strides = [1, 1]} : vector<1x4096xf32> to vector<1x1024xf32>
    %lt3A_150 = vector.broadcast %slice3A_149 : vector<1x1024xf32> to vector<1024x1024xf32>
    %lt3A_151 = vector.broadcast %transpose3A_135 : vector<1024x1xf32> to vector<1024x1024xf32>
    %lt3A_152 = arith.cmpf olt, %lt3A_150, %lt3A_151 : vector<1024x1024xf32>
    %convert_element_type3A_153 = arith.extui %lt3A_152 : vector<1024x1024xi1> to vector<1024x1024xi32>
    %convert_element_type3A_154 = arith.sitofp %convert_element_type3A_153 : vector<1024x1024xi32> to vector<1024x1024xf32>
    %broadcast_in_dim3A_155 = arith.constant 1.000000e+00 : f32
    %broadcast_in_dim3A_156 = vector.broadcast %broadcast_in_dim3A_155 : f32 to vector<1024x1xf32>
    %dot_general3A_157 = arith.constant dense<0.000000e+00> : vector<1024x1xf32>
    %dot_general3A_158 = tpu.matmul %convert_element_type3A_154, %broadcast_in_dim3A_156, %dot_general3A_157 {dimension_numbers = #tpu.dot_dimension_numbers<[1], [0], [0], [1], [0, 0, 1, 1], [], []>, transpose_lhs_hint = false} : vector<1024x1024xf32>, vector<1024x1xf32>, vector<1024x1xf32> -> vector<1024x1xf32>
    %add3A_159 = arith.addf %add3A_148, %dot_general3A_158 : vector<1024x1xf32>
    %slice3A_160 = vector.extract_strided_slice %get3A_3 {offsets = [0, 2048], sizes = [1, 1024], strides = [1, 1]} : vector<1x4096xf32> to vector<1x1024xf32>
    %iota3A_161 = tpu.iota {dimensions = array<i32: 1>} : vector<1024x1024xi32>
    %iota3A_162 = tpu.iota {dimensions = array<i32: 0>} : vector<1024x1024xi32>
    %lt3A_163 = vector.broadcast %slice3A_160 : vector<1x1024xf32> to vector<1024x1024xf32>
    %lt3A_164 = vector.broadcast %transpose3A_135 : vector<1024x1xf32> to vector<1024x1024xf32>
    %lt3A_165 = arith.cmpf olt, %lt3A_163, %lt3A_164 : vector<1024x1024xf32>
    %eq3A_166 = vector.broadcast %slice3A_160 : vector<1x1024xf32> to vector<1024x1024xf32>
    %eq3A_167 = vector.broadcast %transpose3A_135 : vector<1024x1xf32> to vector<1024x1024xf32>
    %eq3A_168 = arith.cmpf oeq, %eq3A_166, %eq3A_167 : vector<1024x1024xf32>
    %lt3A_169 = arith.cmpi slt, %iota3A_161, %iota3A_162 : vector<1024x1024xi32>
    %and3A_170 = arith.andi %eq3A_168, %lt3A_169 : vector<1024x1024xi1>
    %or3A_171 = arith.ori %lt3A_165, %and3A_170 : vector<1024x1024xi1>
    %convert_element_type3A_172 = arith.extui %or3A_171 : vector<1024x1024xi1> to vector<1024x1024xi32>
    %convert_element_type3A_173 = arith.sitofp %convert_element_type3A_172 : vector<1024x1024xi32> to vector<1024x1024xf32>
    %broadcast_in_dim3A_174 = arith.constant 1.000000e+00 : f32
    %broadcast_in_dim3A_175 = vector.broadcast %broadcast_in_dim3A_174 : f32 to vector<1024x1xf32>
    %dot_general3A_176 = arith.constant dense<0.000000e+00> : vector<1024x1xf32>
    %dot_general3A_177 = tpu.matmul %convert_element_type3A_173, %broadcast_in_dim3A_175, %dot_general3A_176 {dimension_numbers = #tpu.dot_dimension_numbers<[1], [0], [0], [1], [0, 0, 1, 1], [], []>, transpose_lhs_hint = false} : vector<1024x1024xf32>, vector<1024x1xf32>, vector<1024x1xf32> -> vector<1024x1xf32>
    %add3A_178 = arith.addf %add3A_159, %dot_general3A_177 : vector<1024x1xf32>
    %convert_element_type3A_179 = arith.fptosi %add3A_178 : vector<1024x1xf32> to vector<1024x1xi32>
    %transpose3A_180 = tpu.transpose %convert_element_type3A_179, [1, 0] : vector<1024x1xi32> -> vector<1x1024xi32>
    %swap3A_181 = arith.constant 0 : index
    %swap3A_182 = arith.constant 0 : index
    %swap3A_183 = arith.constant 2048 : index
    %swap3A_184 = vector.load %arg2[%swap3A_181, %swap3A_182, %swap3A_183] : memref<1x1x4096xi32, #tpu.memory_space<vmem>>, vector<1x1x1024xi32>
    %swap3A_185 = vector.shape_cast %swap3A_184 : vector<1x1x1024xi32> to vector<1x1024xi32>
    %swap3A_186 = vector.shape_cast %transpose3A_180 : vector<1x1024xi32> to vector<1x1x1024xi32>
    tpu.vector_store %arg2[%swap3A_181, %swap3A_182, %swap3A_183], %swap3A_186 {strides = array<i32>} : memref<1x1x4096xi32, #tpu.memory_space<vmem>>, vector<1x1x1024xi32>,
    %ge3A_187 = arith.constant 1024 : i32
    %ge3A_188 = vector.broadcast %ge3A_187 : i32 to vector<1x1024xi32>
    %ge3A_189 = arith.cmpi sge, %transpose3A_180, %ge3A_188 : vector<1x1024xi32>
    %convert_element_type3A_190 = arith.extui %ge3A_189 : vector<1x1024xi1> to vector<1x1024xi32>
    %convert_element_type3A_191 = arith.sitofp %convert_element_type3A_190 : vector<1x1024xi32> to vector<1x1024xf32>
    %swap3A_192 = arith.constant 0 : index
    %swap3A_193 = arith.constant 0 : index
    %swap3A_194 = arith.constant 2048 : index
    %swap3A_195 = vector.load %arg3[%swap3A_192, %swap3A_193, %swap3A_194] : memref<1x1x4096xf32, #tpu.memory_space<vmem>>, vector<1x1x1024xf32>
    %swap3A_196 = vector.shape_cast %swap3A_195 : vector<1x1x1024xf32> to vector<1x1024xf32>
    %swap3A_197 = vector.shape_cast %convert_element_type3A_191 : vector<1x1024xf32> to vector<1x1x1024xf32>
    tpu.vector_store %arg3[%swap3A_192, %swap3A_193, %swap3A_194], %swap3A_197 {strides = array<i32>} : memref<1x1x4096xf32, #tpu.memory_space<vmem>>, vector<1x1x1024xf32>,
    %iota3A_198 = tpu.iota {dimensions = array<i32: 1>} : vector<1024x1024xi32>
    %iota3A_199 = tpu.iota {dimensions = array<i32: 0>} : vector<1024x1024xi32>
    %add3A_200 = arith.constant 2048 : i32
    %add3A_201 = vector.broadcast %add3A_200 : i32 to vector<1024x1024xi32>
    %add3A_202 = arith.addi %add3A_201, %iota3A_199 : vector<1024x1024xi32>
    %eq3A_203 = vector.broadcast %convert_element_type3A_179 : vector<1024x1xi32> to vector<1024x1024xi32>
    %eq3A_204 = arith.cmpi eq, %eq3A_203, %iota3A_198 : vector<1024x1024xi32>
    %jit3A_205 = arith.constant 0 : i32
    %broadcast_in_dim3A_206 = vector.broadcast %jit3A_205 : i32 to vector<1024x1024xi32>
    %select_n3A_207 = arith.select %eq3A_204, %add3A_202, %broadcast_in_dim3A_206 : vector<1024x1024xi1>, vector<1024x1024xi32>
    %reduce_sum3A_208 = arith.constant dense<0> : vector<1024xi32>
    %reduce_sum3A_209 = vector.multi_reduction <add>, %select_n3A_207, %reduce_sum3A_208 [0] : vector<1024x1024xi32> to vector<1024xi32>
    %broadcast_in_dim3A_210 = vector.shape_cast %reduce_sum3A_209 : vector<1024xi32> to vector<1x1024xi32>
    %add3A_211 = arith.addi %add3A_133, %broadcast_in_dim3A_210 : vector<1x1024xi32>
    %slice3A_212 = vector.extract_strided_slice %get3A_3 {offsets = [0, 3072], sizes = [1, 1024], strides = [1, 1]} : vector<1x4096xf32> to vector<1x1024xf32>
    %transpose3A_213 = tpu.transpose %slice3A_212, [1, 0] : vector<1x1024xf32> -> vector<1024x1xf32>
    %broadcast_in_dim3A_214 = arith.constant 0.000000e+00 : f32
    %broadcast_in_dim3A_215 = vector.broadcast %broadcast_in_dim3A_214 : f32 to vector<1024x1xf32>
    %slice3A_216 = vector.extract_strided_slice %get3A_3 {offsets = [0, 0], sizes = [1, 3072], strides = [1, 1]} : vector<1x4096xf32> to vector<1x3072xf32>
    %le3A_217 = vector.broadcast %slice3A_216 : vector<1x3072xf32> to vector<1024x3072xf32>
    %le3A_218 = vector.broadcast %transpose3A_213 : vector<1024x1xf32> to vector<1024x3072xf32>
    %le3A_219 = arith.cmpf ole, %le3A_217, %le3A_218 : vector<1024x3072xf32>
    %convert_element_type3A_220 = arith.extui %le3A_219 : vector<1024x3072xi1> to vector<1024x3072xi32>
    %convert_element_type3A_221 = arith.sitofp %convert_element_type3A_220 : vector<1024x3072xi32> to vector<1024x3072xf32>
    %broadcast_in_dim3A_222 = arith.constant 1.000000e+00 : f32
    %broadcast_in_dim3A_223 = vector.broadcast %broadcast_in_dim3A_222 : f32 to vector<3072x1xf32>
    %dot_general3A_224 = arith.constant dense<0.000000e+00> : vector<1024x1xf32>
    %dot_general3A_225 = tpu.matmul %convert_element_type3A_221, %broadcast_in_dim3A_223, %dot_general3A_224 {dimension_numbers = #tpu.dot_dimension_numbers<[1], [0], [0], [1], [0, 0, 1, 1], [], []>, transpose_lhs_hint = false} : vector<1024x3072xf32>, vector<3072x1xf32>, vector<1024x1xf32> -> vector<1024x1xf32>
    %add3A_226 = arith.addf %broadcast_in_dim3A_215, %dot_general3A_225 : vector<1024x1xf32>
    %slice3A_227 = vector.extract_strided_slice %get3A_3 {offsets = [0, 3072], sizes = [1, 1024], strides = [1, 1]} : vector<1x4096xf32> to vector<1x1024xf32>
    %iota3A_228 = tpu.iota {dimensions = array<i32: 1>} : vector<1024x1024xi32>
    %iota3A_229 = tpu.iota {dimensions = array<i32: 0>} : vector<1024x1024xi32>
    %lt3A_230 = vector.broadcast %slice3A_227 : vector<1x1024xf32> to vector<1024x1024xf32>
    %lt3A_231 = vector.broadcast %transpose3A_213 : vector<1024x1xf32> to vector<1024x1024xf32>
    %lt3A_232 = arith.cmpf olt, %lt3A_230, %lt3A_231 : vector<1024x1024xf32>
    %eq3A_233 = vector.broadcast %slice3A_227 : vector<1x1024xf32> to vector<1024x1024xf32>
    %eq3A_234 = vector.broadcast %transpose3A_213 : vector<1024x1xf32> to vector<1024x1024xf32>
    %eq3A_235 = arith.cmpf oeq, %eq3A_233, %eq3A_234 : vector<1024x1024xf32>
    %lt3A_236 = arith.cmpi slt, %iota3A_228, %iota3A_229 : vector<1024x1024xi32>
    %and3A_237 = arith.andi %eq3A_235, %lt3A_236 : vector<1024x1024xi1>
    %or3A_238 = arith.ori %lt3A_232, %and3A_237 : vector<1024x1024xi1>
    %convert_element_type3A_239 = arith.extui %or3A_238 : vector<1024x1024xi1> to vector<1024x1024xi32>
    %convert_element_type3A_240 = arith.sitofp %convert_element_type3A_239 : vector<1024x1024xi32> to vector<1024x1024xf32>
    %broadcast_in_dim3A_241 = arith.constant 1.000000e+00 : f32
    %broadcast_in_dim3A_242 = vector.broadcast %broadcast_in_dim3A_241 : f32 to vector<1024x1xf32>
    %dot_general3A_243 = arith.constant dense<0.000000e+00> : vector<1024x1xf32>
    %dot_general3A_244 = tpu.matmul %convert_element_type3A_240, %broadcast_in_dim3A_242, %dot_general3A_243 {dimension_numbers = #tpu.dot_dimension_numbers<[1], [0], [0], [1], [0, 0, 1, 1], [], []>, transpose_lhs_hint = false} : vector<1024x1024xf32>, vector<1024x1xf32>, vector<1024x1xf32> -> vector<1024x1xf32>
    %add3A_245 = arith.addf %add3A_226, %dot_general3A_244 : vector<1024x1xf32>
    %convert_element_type3A_246 = arith.fptosi %add3A_245 : vector<1024x1xf32> to vector<1024x1xi32>
    %transpose3A_247 = tpu.transpose %convert_element_type3A_246, [1, 0] : vector<1024x1xi32> -> vector<1x1024xi32>
    %swap3A_248 = arith.constant 0 : index
    %swap3A_249 = arith.constant 0 : index
    %swap3A_250 = arith.constant 3072 : index
    %swap3A_251 = vector.load %arg2[%swap3A_248, %swap3A_249, %swap3A_250] : memref<1x1x4096xi32, #tpu.memory_space<vmem>>, vector<1x1x1024xi32>
    %swap3A_252 = vector.shape_cast %swap3A_251 : vector<1x1x1024xi32> to vector<1x1024xi32>
    %swap3A_253 = vector.shape_cast %transpose3A_247 : vector<1x1024xi32> to vector<1x1x1024xi32>
    tpu.vector_store %arg2[%swap3A_248, %swap3A_249, %swap3A_250], %swap3A_253 {strides = array<i32>} : memref<1x1x4096xi32, #tpu.memory_space<vmem>>, vector<1x1x1024xi32>,
    %ge3A_254 = arith.constant 1024 : i32
    %ge3A_255 = vector.broadcast %ge3A_254 : i32 to vector<1x1024xi32>
    %ge3A_256 = arith.cmpi sge, %transpose3A_247, %ge3A_255 : vector<1x1024xi32>
    %convert_element_type3A_257 = arith.extui %ge3A_256 : vector<1x1024xi1> to vector<1x1024xi32>
    %convert_element_type3A_258 = arith.sitofp %convert_element_type3A_257 : vector<1x1024xi32> to vector<1x1024xf32>
    %swap3A_259 = arith.constant 0 : index
    %swap3A_260 = arith.constant 0 : index
    %swap3A_261 = arith.constant 3072 : index
    %swap3A_262 = vector.load %arg3[%swap3A_259, %swap3A_260, %swap3A_261] : memref<1x1x4096xf32, #tpu.memory_space<vmem>>, vector<1x1x1024xf32>
    %swap3A_263 = vector.shape_cast %swap3A_262 : vector<1x1x1024xf32> to vector<1x1024xf32>
    %swap3A_264 = vector.shape_cast %convert_element_type3A_258 : vector<1x1024xf32> to vector<1x1x1024xf32>
    tpu.vector_store %arg3[%swap3A_259, %swap3A_260, %swap3A_261], %swap3A_264 {strides = array<i32>} : memref<1x1x4096xf32, #tpu.memory_space<vmem>>, vector<1x1x1024xf32>,
    %iota3A_265 = tpu.iota {dimensions = array<i32: 1>} : vector<1024x1024xi32>
    %iota3A_266 = tpu.iota {dimensions = array<i32: 0>} : vector<1024x1024xi32>
    %add3A_267 = arith.constant 3072 : i32
    %add3A_268 = vector.broadcast %add3A_267 : i32 to vector<1024x1024xi32>
    %add3A_269 = arith.addi %add3A_268, %iota3A_266 : vector<1024x1024xi32>
    %eq3A_270 = vector.broadcast %convert_element_type3A_246 : vector<1024x1xi32> to vector<1024x1024xi32>
    %eq3A_271 = arith.cmpi eq, %eq3A_270, %iota3A_265 : vector<1024x1024xi32>
    %jit3A_272 = arith.constant 0 : i32
    %broadcast_in_dim3A_273 = vector.broadcast %jit3A_272 : i32 to vector<1024x1024xi32>
    %select_n3A_274 = arith.select %eq3A_271, %add3A_269, %broadcast_in_dim3A_273 : vector<1024x1024xi1>, vector<1024x1024xi32>
    %reduce_sum3A_275 = arith.constant dense<0> : vector<1024xi32>
    %reduce_sum3A_276 = vector.multi_reduction <add>, %select_n3A_274, %reduce_sum3A_275 [0] : vector<1024x1024xi32> to vector<1024xi32>
    %broadcast_in_dim3A_277 = vector.shape_cast %reduce_sum3A_276 : vector<1024xi32> to vector<1x1024xi32>
    %add3A_278 = arith.addi %add3A_211, %broadcast_in_dim3A_277 : vector<1x1024xi32>
    %squeeze3A = vector.shape_cast %add3A_278 : vector<1x1024xi32> to vector<1024xi32>
    %swap3A_279 = arith.constant 0 : index
    %swap3A_280 = arith.constant 0 : index
    %swap3A_281 = arith.constant 0 : index
    %swap3A_282 = vector.load %arg4[%swap3A_279, %swap3A_280, %swap3A_281] : memref<1x1x1024xi32, #tpu.memory_space<vmem>>, vector<1x1x1024xi32>
    %swap3A_283 = vector.shape_cast %swap3A_282 : vector<1x1x1024xi32> to vector<1024xi32>
    %swap3A_284 = vector.shape_cast %squeeze3A : vector<1024xi32> to vector<1x1x1024xi32>
    tpu.vector_store %arg4[%swap3A_279, %swap3A_280, %swap3A_281], %swap3A_284 {strides = array<i32>} : memref<1x1x1024xi32, #tpu.memory_space<vmem>>, vector<1x1x1024xi32>,
    %squeeze3A_285 = vector.shape_cast %add3A_278 : vector<1x1024xi32> to vector<1024xi32>
    %mul3A = arith.constant 4096 : i32
    %mul3A_286 = arith.muli %arg0, %mul3A : i32
    %add3A_287 = vector.broadcast %mul3A_286 : i32 to vector<1024xi32>
    %add3A_288 = arith.addi %squeeze3A_285, %add3A_287 : vector<1024xi32>
    %swap3A_289 = arith.constant 0 : index
    %swap3A_290 = arith.constant 0 : index
    %swap3A_291 = arith.constant 0 : index
    %swap3A_292 = vector.load %arg5[%swap3A_289, %swap3A_290, %swap3A_291] : memref<1x1x1024xi32, #tpu.memory_space<vmem>>, vector<1x1x1024xi32>
    %swap3A_293 = vector.shape_cast %swap3A_292 : vector<1x1x1024xi32> to vector<1024xi32>
    %swap3A_294 = vector.shape_cast %add3A_288 : vector<1024xi32> to vector<1x1x1024xi32>
    tpu.vector_store %arg5[%swap3A_289, %swap3A_290, %swap3A_291], %swap3A_294 {strides = array<i32>} : memref<1x1x1024xi32, #tpu.memory_space<vmem>>, vector<1x1x1024xi32>,
    return
  }
  func.func @transform_0(%arg0: i32) -> (i32, i32, i32) {
    %c0_i32 = arith.constant 0 : i32
    %c0_i32_0 = arith.constant 0 : i32
    %c0_i32_1 = arith.constant 0 : i32
    return %arg0, %c0_i32, %c0_i32_0 : i32, i32, i32
  }
  func.func @transform_1(%arg0: i32) -> (i32, i32, i32) {
    %c0_i32 = arith.constant 0 : i32
    %c0_i32_0 = arith.constant 0 : i32
    %c0_i32_1 = arith.constant 0 : i32
    return %arg0, %c0_i32, %c0_i32_0 : i32, i32, i32
  }
  func.func @transform_2(%arg0: i32) -> (i32, i32, i32) {
    %c0_i32 = arith.constant 0 : i32
    %c0_i32_0 = arith.constant 0 : i32
    %c0_i32_1 = arith.constant 0 : i32
    return %arg0, %c0_i32, %c0_i32_0 : i32, i32, i32
  }
  func.func @transform_3(%arg0: i32) -> (i32, i32, i32) {
    %c0_i32 = arith.constant 0 : i32
    %c0_i32_0 = arith.constant 0 : i32
    %c0_i32_1 = arith.constant 0 : i32
    return %arg0, %c0_i32, %c0_i32_0 : i32, i32, i32
  }
  func.func @transform_4(%arg0: i32) -> (i32, i32, i32) {
    %c0_i32 = arith.constant 0 : i32
    %c0_i32_0 = arith.constant 0 : i32
    %c0_i32_1 = arith.constant 0 : i32
    return %arg0, %c0_i32, %c0_i32_0 : i32, i32, i32
  }
}

</mosaic_0001>

<sc_bundles>
// kernel: kernel.4.cloned.1.call-start
scs
__scs_entry_jumppad:
0x0: {  	(pc) =	sbr.rel $0x88, $3  }
0x1: {  	(tag) =	ssettag $0x0;
	lr =	simm.s32 $0x1  }
0x2: {  	[smem:$0x3FA0] =	sst lr;
	_ =	strace $0xD0000000  }
0x3: {  	_ = 	snop  }
0x4: {  	_ = 	snop  }
0x5: {  	_ = 	snop  }
0x6: {  	_ = 	snop  }
0x7: {  	_ = 	snop  }
__scs_overlays_trampoline_lowered:
0x8: {  	[smem:$0x3FAF] =	sst s0  }
0x9: {  	[smem:$0x3FB0] =	sst s1  }
0xa: {  	[smem:$0x3FB1] =	sst s2  }
0xb: {  	[smem:$0x3FB2] =	sst s3  }
0xc: {  	[smem:$0x3FB3] =	sst s4  }
0xd: {  	[smem:$0x3FB4] =	sst s5  }
0xe: {  	[smem:$0x3FB5] =	sst s6  }
0xf: {  	[smem:$0x3FB6] =	sst s7  }
0x10: {  	[smem:$0x3FB7] =	sst s8  }
0x11: {  	[smem:$0x3FB8] =	sst s9;
	s0 =	simm.s32 @!p0 $0x0  }
0x12: {  	s1 =	sld [smem:$0x3F9E];
	s0 =	simm.s32 @p0 $0x1  }
0x13: {  	[smem:$0x3FB9] =	sst s0;
	s0 =	simm.s32 @!p1 $0x0  }
0x14: {  	s2 =	sld [smem:$0x3F9D];
	s0 =	simm.s32 @p1 $0x1  }
0x15: {  	[smem:$0x3FBA] =	sst s0;
	s0 =	simm.s32 @!p2 $0x0  }
0x16: {  	s3 =	sld [smem:$0x3FDB];
	s0 =	simm.s32 @p2 $0x1  }
0x17: {  	s4 =	simm.s32 $0x1BF5;
	[smem:$0x3FBC] =	sst s0  }
0x18: {  	s0 =	sld [smem:$0x3F9F];
	_ =	swait.ge [sflag:s4], $0x0  }
0x19: {  	s7 =	sld [smem:$0x3FA0]  }
0x1a: {  	s8 =	sadd.s32 $0xFFFFE003, lr  }
0x1b: {  	s9 =	sadd.s32 $0xFFFFFEF7, lr;
	s5 =	simm.s32 $0xFFFFFFFF;
	p2 =	slt.u32 s8, $0xFFFFF086  }
0x1c: {  	p1 =	slt.u32 s9, $0xF7A;
	s5 =	simm.s32 @!p2 $0x0  }
0x1d: {  	s5 =	simm.s32 @p1 $0x1;
	p0 =	seq.s32 s7, s2  }
0x1e: {  	s7 =	smul.u32 @!p0 $0xF7A, s2;
	p2 =	seq.s32 @!p0 s5, $0x0  }
0x1f: {  	s9 =	smul.u32 $0xF7A, s1;
	s8 =	simm.s32 @!p0 $0x1BF5;
	p2 =	por !p2, p0  }
0x20: {  	[sflag:s8] =	ssyncset.s32 @!p0 $0xFFFFF086;
	s6 =	sadd.s32 @!p0 s3, s7;
	s7 =	simm.s32 @!p0 $0x108  }
0x21: {  	s3 =	sadd.s32 s3, s9;
	s6 =	sadd.s32 @!p0 $0x88, s6;
	s7 =	simm.s32 @p2 $0x1082  }
0x22: {  	[simem:s7], [sflag:s8] =	dma.local @!p0 [hbm:s6], $0xF7A  }
0x23: {  	s9 =	sor.u32 $0xD0000000, s2;
	s6 =	simm.s32 $0x108;
	_ =	swait.ge @!p0 [sflag:s8], $0x0  }
0x24: {  	s3 =	sadd.s32 $0x88, s3;
	s6 =	simm.s32 @!p1 $0x1082;
	[sflag:s4] =	ssyncset.s32 $0xFFFFF086  }
0x25: {  	[simem:s6], [sflag:s4] =	dma.local [hbm:s3], $0xF7A  }
0x26: {  	[smem:$0x3FA0] =	sst s1;
	(tag) =	ssettag s2;
	_ =	strace s9  }
0x27: {  	s1 =	sld [smem:$0x3FB0]  }
0x28: {  	s2 =	sld [smem:$0x3FB1]  }
0x29: {  	s4 =	sld [smem:$0x3FB3]  }
0x2a: {  	p0 =	seq.s32 s5, $0x0;
	s5 =	sld [smem:$0x3FB4]  }
0x2b: {  	s6 =	sld [smem:$0x3FB5]  }
0x2c: {  	s7 =	sld [smem:$0x3FB6]  }
0x2d: {  	s3 =	simm.s32 $0x108;
	s8 =	sld [smem:$0x3FB7]  }
0x2e: {  	s3 =	simm.s32 @!p0 $0x1082;
	s9 =	sld [smem:$0x3FB8]  }
0x2f: {  	lr =	sadd.s32 s0, s3;
	s0 =	sld [smem:$0x3FAF]  }
0x30: {  	s3 =	sld [smem:$0x3FB2]  }
0x31: {  	[smem:$0x3FBB] =	sst s10  }
0x32: {  	s10 =	sld [smem:$0x3FB9];
	_ =	sdelay $0x3  }
0x33: {  	p0 =	seq.s32 s10, $0x1;
	s10 =	sld [smem:$0x3FBB];
	_ =	sdelay $0x3  }
0x34: {  	[smem:$0x3FBB] =	sst s10  }
0x35: {  	s10 =	sld [smem:$0x3FBA];
	_ =	sdelay $0x3  }
0x36: {  	p1 =	seq.s32 s10, $0x1;
	s10 =	sld [smem:$0x3FBB];
	_ =	sdelay $0x3  }
0x37: {  	[smem:$0x3FBB] =	sst s10  }
0x38: {  	s10 =	sld [smem:$0x3FBC]  }
0x39: {  	_ = 	snop;
	(pc) =	sbr.ind lr, $3  }
0x3a: {  	_ = 	snop  }
0x3b: {  	_ = 	snop  }
0x3c: {  	p2 =	seq.s32 s10, $0x1;
	s10 =	sld [smem:$0x3FBB]  }
0x3d: {  	_ =	shalt  }
0x3e: {  	_ =	shalt  }
0x3f: {  	_ =	shalt  }
0x40: {  	_ =	shalt  }
0x41: {  	_ =	shalt  }
0x42: {  	_ =	shalt  }
0x43: {  	_ =	shalt  }
0x44: {  	_ =	shalt  }
0x45: {  	_ =	shalt  }
0x46: {  	_ =	shalt  }
0x47: {  	_ =	shalt  }
0x48: {  	_ =	shalt  }
0x49: {  	_ =	shalt  }
0x4a: {  	_ =	shalt  }
0x4b: {  	_ =	shalt  }
0x4c: {  	_ =	shalt  }
0x4d: {  	_ =	shalt  }
0x4e: {  	_ =	shalt  }
0x4f: {  	_ =	shalt  }
0x50: {  	_ =	shalt  }
0x51: {  	_ =	shalt  }
0x52: {  	_ =	shalt  }
0x53: {  	_ =	shalt  }
0x54: {  	_ =	shalt  }
0x55: {  	_ =	shalt  }
0x56: {  	_ =	shalt  }
0x57: {  	_ =	shalt  }
0x58: {  	_ =	shalt  }
0x59: {  	_ =	shalt  }
0x5a: {  	_ =	shalt  }
0x5b: {  	_ =	shalt  }
0x5c: {  	_ =	shalt  }
0x5d: {  	_ =	shalt  }
0x5e: {  	_ =	shalt  }
0x5f: {  	_ =	shalt  }
0x60: {  	_ =	shalt  }
0x61: {  	_ =	shalt  }
0x62: {  	_ =	shalt  }
0x63: {  	_ =	shalt  }
0x64: {  	_ =	shalt  }
0x65: {  	_ =	shalt  }
0x66: {  	_ =	shalt  }
0x67: {  	_ =	shalt  }
0x68: {  	_ =	shalt  }
0x69: {  	_ =	shalt  }
0x6a: {  	_ =	shalt  }
0x6b: {  	_ =	shalt  }
0x6c: {  	_ =	shalt  }
0x6d: {  	_ =	shalt  }
0x6e: {  	_ =	shalt  }
0x6f: {  	_ =	shalt  }
0x70: {  	_ =	shalt  }
0x71: {  	_ =	shalt  }
0x72: {  	_ =	shalt  }
0x73: {  	_ =	shalt  }
0x74: {  	_ =	shalt  }
0x75: {  	_ =	shalt  }
0x76: {  	_ =	shalt  }
0x77: {  	_ =	shalt  }
0x78: {  	_ =	shalt  }
0x79: {  	_ =	shalt  }
0x7a: {  	_ =	shalt  }
0x7b: {  	_ =	shalt  }
0x7c: {  	_ =	shalt  }
0x7d: {  	_ =	shalt  }
0x7e: {  	_ =	shalt  }
0x7f: {  	_ =	shalt  }
0x80: {  	_ =	shalt  }
0x81: {  	_ =	shalt  }
0x82: {  	_ =	shalt  }
0x83: {  	_ =	shalt  }
0x84: {  	_ =	shalt  }
0x85: {  	_ =	shalt  }
0x86: {  	_ =	shalt  }
0x87: {  	_ =	shalt  }
.Lfunc_end0:
.L_simem_size_0:
called_computation_lowered:
.L_overlay_start_0:
0x88: {  	s2 =	sld [smem:$0x3FD9]  }
0x89: {  	s3 =	sld [smem:$0x3FFE];
	_ =	sdelay $0x1  }
0x8a: {  	s1 =	srdreg.scid  }
0x8b: {  	s0 =	sand.u32 $0x1, s1  }
0x8c: {  	s14 =	sshll.u32 s0, $0xA;
	s2 =	sadd.s32 s3, s2  }
0x8d: {  	s2 =	sadd.s32 s2, s14  }
0x8e: {  	[smem:$0x3FC7] =	sst s2  }
0x8f: {  	_ = 	snop  }
0x90: {  	s2 =	sld [smem:$0x3FD0];
	_ =	sdelay $0x2  }
0x91: {  	s4 =	simm.s32 $0xA;
	s5 =	simm.s32 $0x10;
	s15 =	sld [smem:$0x3FC9]  }
0x92: {  	[smem:s5], [sflag:s4] =	dma.local [hbm:s2], $0x1  }
0x93: {  	_ =	swait.eq [sflag:s4], $0x1  }
0x94: {  	[sflag:s4] =	ssyncset.done $0x0  }
0x95: {  	[sflag:s4] =	ssyncadd.s32 $0xFFFFFFFF  }
0x96: {  	s16 =	sld [smem:$0x10];
	(tm) =	ssettm $0x1  }
0x97: {  	s17 =	sld [smem:$0x3FFB];
	_ =	sdelay $0x3  }
0x98: {  	_ =	strace s17  }
0x99: {  	s4 =	sld [smem:$0x3FFC];
	_ =	sdelay $0x3  }
0x9a: {  	_ =	strace s4  }
0x9b: {  	s4 =	sld [smem:$0x3FFD];
	_ =	sdelay $0x3  }
0x9c: {  	_ =	strace s4  }
0x9d: {  	_ =	strace $0x8FFFFFFF  }
0x9e: {  	s18 =	sld [smem:$0x3FDB];
	_ =	sdelay $0x1  }
0x9f: {  	s19 =	simm.s32 $_scs_section_size  }
0xa0: {  	s6 =	simm.s32 $_size__tile_overlayer_lowered;
	s7 =	simm.s32 $_tile_overlayer_lowered  }
0xa1: {  	s22 =	simm.s32 $0x1BFF;
	s21 =	sshll.u32 s7, $0x1;
	s4 =	sadd.s32 s19, s18  }
0xa2: {  	s8 =	simm.s32 $0x0;
	s20 =	sshll.u32 s6, $0x1;
	s6 =	sadd.s32 s21, s4  }
0xa3: {  	[timem:s8], [sflag:s22] =	dma.local [hbm:s6], s20  }
0xa4: {  	_ =	swait.ge [sflag:s22], s20  }
0xa5: {  	s5 =	ssub.s32 $0x0, s20;
	[sflag:s22] =	ssyncset.done $0x0  }
0xa6: {  	[sflag:s22] =	ssyncadd.s32 s5;
	_ =	sdelay $0x1  }
0xa7: {  	s23 =	simm.s32 $0x1B8B  }
0xa8: {  	_ =	swait.ge [sflag:s23], $0x1  }
0xa9: {  	[sflag:s23] =	ssyncset.done $0x0  }
0xaa: {  	s25 =	simm.s32 $0x1B8E;
	s24 =	sld [smem:$0x3FFE];
	[sflag:s23] =	ssyncadd.s32 $0xFFFFFFFF  }
0xab: {  	s26 =	simm.s32 $execute0_lowered;
	[smem:$0x3FD2] =	sst s25  }
0xac: {  	s6 =	sshll.u32 s26, $0x1;
	_ =	strace $0x80000046;
	[dreg:$0x1] =	wrdreg $0xFFFFFFFF  }
0xad: {  	s28 =	simm.s32 $_size_execute0_lowered;
	s4 =	sadd.s32 s4, s6;
	[dreg:$0x0] =	wrdreg $0x0  }
0xae: {  	s6 =	sshll.u32 s28, $0x1;
	[dreg:$0x2] =	wrdreg s4  }
0xaf: {  	[dreg:$0x3] =	wrdreg s6  }
0xb0: {  	[dreg:$0x4] =	wrdreg $0xC0  }
0xb1: {  	_ =	task [dreg:s8], $0x5FFFF  }
0xb2: {  	[dreg:$0x1] =	wrdreg $0xFFFFFFFF  }
0xb3: {  	[dreg:$0x0] =	wrdreg $0x60  }
0xb4: {  	[dreg:$0x2] =	wrdreg s15  }
0xb5: {  	[dreg:$0x3] =	wrdreg s24  }
0xb6: {  	[dreg:$0x4] =	wrdreg s16  }
0xb7: {  	[dreg:$0x5] =	wrdreg $0x9  }
0xb8: {  	_ =	task.clear_ibuf [dreg:s8], $0x6FFFF;
	_ =	strace $0x90000046  }
0xb9: {  	s29 =	simm.s32 $0x9;
	_ =	strace $0x80000048  }
0xba: {  	_ =	swait.ge [sflag:s29], $0x1  }
0xbb: {  	[sflag:s29] =	ssyncadd.s32 $0xFFFFFFFF  }
0xbc: {  	_ =	strace $0x90000048  }
0xbd: {  	_ =	sfence  }
0xbe: {  	s30 =	sld [smem:$0x0];
	_ =	sdelay $0x2  }
0xbf: {  	s31 =	sshll.u32 s1, $0xD;
	s1 =	sshrl.u32 s1, $0x2  }
0xc0: {  	s3 =	sand.u32 $0x4000, s31;
	s1 =	sadd.s32 s1, s30  }
0xc1: {  	s0 =	sor.u32 s3, s0;
	s1 =	sshll.u32 s1, $0x11  }
0xc2: {  	s0 =	sor.u32 s1, s0  }
0xc3: {  	s0 =	sadd.s32 $0x8F2B, s0  }
0xc4: {  	[sflag:s0] =	ssyncadd.remote.s32 $0x1  }
0xc5: {  	_ =	sfence.sel $0xFFFF  }
0xc6: {  	[dreg:$0x0] =	wrdreg $0xFFFFFFFF;
	(pc) =	sbr.abs _section_cstart, $3  }
0xc7: {  	[dreg:$0x1] =	wrdreg $0xFFFFFFFF  }
0xc8: {  	_ =	task.clear_ibuf [dreg:s8], $0x2FFFF;
	_ =	strace $0x9FFFFFFF  }
0xc9: {  	(tm) =	ssettm $0x7FFFFFFF  }
tec
execute0_lowered:
.L_overlay_start_1:
0x0: {  	(tag) =	ssettag $0x1  }
0x1: {  	s1 =	rddreg [dreg:$0x0]  }
0x2: {  	s0 =	rddreg [dreg:$0x1]  }
0x3: {  	s4 =	rddreg [dreg:$0x2];
	s3 =	simm.s32 $0x0  }
0x4: {  	s19 =	simm.s32 $0x8A00;
	[smem:$0x7FF] =	sst s3  }
0x5: {  	s20 =	simm.s32 $0x9200;
	_ =	strace $0x80000047;
	[dreg:$0x8] =	wrdreg s19  }
0x6: {  	s21 =	simm.s32 $0x9A00;
	[dreg:$0x9] =	wrdreg s20  }
0x7: {  	s22 =	simm.s32 $0xA200;
	[dreg:$0xa] =	wrdreg s21  }
0x8: {  	s2 =	srdreg.scid;
	s23 =	simm.s32 $0xAA00;
	[dreg:$0xb] =	wrdreg s22  }
0x9: {  	s6 =	stileid.u32;
	s24 =	simm.s32 $0xB200;
	[dreg:$0xc] =	wrdreg s23  }
0xa: {  	s25 =	simm.s32 $0xBA00;
	s26 =	simm.s32 $0xC200;
	[dreg:$0xd] =	wrdreg s24  }
0xb: {  	s8 =	simm.s32 $0xE200;
	s9 =	simm.s32 $0xEA00;
	[dreg:$0xe] =	wrdreg s25  }
0xc: {  	s10 =	simm.s32 $0xF200;
	s11 =	simm.s32 $0xFA00;
	[dreg:$0xf] =	wrdreg s26  }
0xd: {  	s12 =	simm.s32 $0x10A00;
	s13 =	simm.s32 $0x11200;
	[dreg:$0x13] =	wrdreg s8  }
0xe: {  	s28 =	simm.s32 $0x1;
	s31 =	simm.s32 $0x4;
	[dreg:$0x14] =	wrdreg s9  }
0xf: {  	s29 =	simm.s32 $0x7A00;
	s30 =	simm.s32 $0x10200;
	[dreg:$0x15] =	wrdreg s10  }
0x10: {  	s2 =	sand.u32 $0x1, s2;
	s14 =	sshll.u32 s6, $0x7;
	[dreg:$0x16] =	wrdreg s11  }
0x11: {  	s6 =	sshll.u32 s6, $0xF;
	s5 =	sshll.u32 s2, $0x6;
	[dreg:$0x17] =	wrdreg s12  }
0x12: {  	s7 =	sshll.u32 s2, $0xE;
	[dreg:$0x18] =	wrdreg s13;
	s19 =	simm.s32 $0x14200  }
0x13: {  	s2 =	ssub.s32 $0x2, s2;
	s20 =	simm.s32 $0x14A00;
	[dreg:$0x1e] =	wrdreg s19  }
0x14: {  	s10 =	simm.s32 $0x200;
	s21 =	simm.s32 $0x15200;
	[dreg:$0x1f] =	wrdreg s20  }
0x15: {  	s22 =	simm.s32 $0x15A00;
	s23 =	simm.s32 $0x16200;
	[smem:$0x7F8] =	sst s21  }
0x16: {  	s24 =	simm.s32 $0x16A00;
	s25 =	simm.s32 $0x17200;
	[smem:$0x7F9] =	sst s22  }
0x17: {  	s26 =	simm.s32 $0x17A00;
	s13 =	simm.s32 $0xA00;
	[smem:$0x7FA] =	sst s23  }
0x18: {  	s0 =	sadd.s32 s5, s0;
	s15 =	sor.u32 s7, s6;
	[smem:$0x7FB] =	sst s24  }
0x19: {  	s5 =	simm.s32 $0xD200;
	s6 =	sshrl.u32 s2, $0x1;
	[smem:$0x7FC] =	sst s25  }
0x1a: {  	s7 =	simm.s32 $0xDA00;
	[smem:$0x7FD] =	sst s26;
	s19 =	simm.s32 $0x3A00  }
0x1b: {  	s20 =	simm.s32 $0x4200;
	s21 =	simm.s32 $0x4A00;
	s22 =	simm.s32 $0x5200  }
0x1c: {  	s23 =	simm.s32 $0x5A00;
	s24 =	simm.s32 $0x6200;
	[dreg:$0x11] =	wrdreg s5  }
0x1d: {  	s25 =	simm.s32 $0x6A00;
	s4 =	sadd.s32 s4, s15;
	[dreg:$0x12] =	wrdreg s7  }
0x1e: {  	s0 =	sadd.s32 s14, s0;
	s14 =	simm.s32 $0x11A00;
	[smem:$0x7F7] =	sst s4  }
0x1f: {  	s26 =	simm.s32 $0x7200;
	s15 =	simm.s32 $0x12200;
	[dreg:$0x19] =	wrdreg s14  }
0x20: {  	s2 =	ssub.s32 s2, s6;
	s0 =	sadd.s32 $0x400, s0;
	[dreg:$0x1a] =	wrdreg s15  }
0x21: {  	s5 =	sadd.s32 $0x100, s1;
	s16 =	sadd.s32 $0x1000, s4;
	[dreg:$0x4] =	wrdreg s0  }
0x22: {  	s6 =	sadd.s32 $0x200, s1;
	s17 =	sadd.s32 $0x2000, s4;
	[dreg:$0x5] =	wrdreg s16  }
0x23: {  	s7 =	sadd.s32 $0x300, s1;
	s18 =	sadd.s32 $0x3000, s4;
	[dreg:$0x6] =	wrdreg s17  }
0x24: {  	s4 =	simm.s32 $0xCA00;
	s8 =	smax.u32 s2, $0x1;
	[dreg:$0x7] =	wrdreg s18  }
0x25: {  	s2 =	simm.s32 $0x5;
	[dreg:$0x10] =	wrdreg s4;
	s16 =	simm.s32 $0x12A00  }
0x26: {  	s14 =	simm.s32 $0x1200;
	s17 =	simm.s32 $0x13200;
	[dreg:$0x1b] =	wrdreg s16  }
0x27: {  	v2 =	vlaneseq.u32;
	s15 =	simm.s32 $0x1A00;
	s18 =	simm.s32 $0x13A00;
	[dreg:$0x1c] =	wrdreg s17  }
0x28: {  	vm0 =	vmmov $0xffff;
	v1 =	vshrl.u32 v2, $0x3;
	s0 =	simm.s32 $0x3;
	s4 =	simm.s32 $0x6;
	[dreg:$0x1d] =	wrdreg s18  }
0x29: {  	v0 =	vand.u32 $0x7, v2;
	v2 =	vor.u32 $0x8, v2;
	v1 =	vmul.u32 $0x8, v1;
	s16 =	simm.s32 $0x2200;
	s17 =	simm.s32 $0x2A00;
	s18 =	simm.s32 $0x3200  }
.LBB2_1:
0x2a: {  	s11 =	rddreg [dreg:$0x4];
	s9 =	simm.s32 $0x7  }
0x2b: {  	[tilespmem:s3], [sflag:$0x7] =	stream.linear.gather [hbm4b:s11+s3], $0x200, $0x38;
	[tilespmem:$0x18200] =	vst v63  }
0x2c: {  	_ =	swait.ge [sflag:s9], $0x200  }
0x2d: {  	[sflag:s9] =	ssyncset.done $0x0  }
0x2e: {  	[sflag:s9] =	ssyncadd.s32 $0xFFFFFE00  }
0x2f: {  	v3 =	vld [tilespmem:$0x0];
	_ =	sdelay $0x4  }
0x30: {  	v4 =	vshll.u32 v3, $0x3  }
0x31: {  	v3 =	vand.u32 $0x7, v3;
	v4 =	vand.u32 $0xFFFFFFC0, v4  }
0x32: {  	v3 =	vor.u32 v3, v4  }
0x33: {  	v4 =	vperm.xlane v3, v0;
	_ =	sdelay $0x1  }
0x34: {  	v4 =	vadd.s32 v1, v4;
	_ =	sdelay $0x4  }
0x35: {  	[tilespmem:s10], [sflag:$0x1] =	stream.indirect_vreg.gather [hbm4b:s1+s3], $0x80, v4, vm0, $0xb8;
	[tilespmem:$0x18200] =	vst v63  }
0x36: {  	v3 =	vperm.xlane v3, v2  }
0x37: {  	[tilespmem:s13], [sflag:$0x1] =	stream.indirect_vreg.gather [hbm4b:s5+s3], $0x80, v4, vm0, $0xb8;
	[tilespmem:$0x18200] =	vst v63  }
0x38: {  	v3 =	vadd.s32 v1, v3  }
0x39: {  	[tilespmem:s14], [sflag:$0x1] =	stream.indirect_vreg.gather [hbm4b:s6+s3], $0x80, v4, vm0, $0xb8;
	[tilespmem:$0x18200] =	vst v63  }
0x3a: {  	_ = 	snop  }
0x3b: {  	[tilespmem:s15], [sflag:$0x1] =	stream.indirect_vreg.gather [hbm4b:s7+s3], $0x80, v4, vm0, $0xb8;
	[tilespmem:$0x18200] =	vst v63  }
0x3c: {  	_ = 	snop  }
0x3d: {  	[tilespmem:s16], [sflag:$0x1] =	stream.indirect_vreg.gather [hbm4b:s1+s3], $0x80, v3, vm0, $0xb8;
	[tilespmem:$0x18200] =	vst v63  }
0x3e: {  	_ = 	snop  }
0x3f: {  	[tilespmem:s17], [sflag:$0x1] =	stream.indirect_vreg.gather [hbm4b:s5+s3], $0x80, v3, vm0, $0xb8;
	[tilespmem:$0x18200] =	vst v63  }
0x40: {  	_ = 	snop  }
0x41: {  	[tilespmem:s18], [sflag:$0x1] =	stream.indirect_vreg.gather [hbm4b:s6+s3], $0x80, v3, vm0, $0xb8;
	[tilespmem:$0x18200] =	vst v63  }
0x42: {  	_ = 	snop  }
0x43: {  	[tilespmem:s19], [sflag:$0x1] =	stream.indirect_vreg.gather [hbm4b:s7+s3], $0x80, v3, vm0, $0xb8;
	[tilespmem:$0x18200] =	vst v63  }
0x44: {  	v3 =	vld [tilespmem:$0x10];
	_ =	sdelay $0x4  }
0x45: {  	v57 =	vshll.u32 v3, $0x3  }
0x46: {  	v3 =	vand.u32 $0x7, v3;
	v4 =	vand.u32 $0xFFFFFFC0, v57  }
0x47: {  	v3 =	vor.u32 v3, v4  }
0x48: {  	v4 =	vperm.xlane v3, v0;
	_ =	sdelay $0x1  }
0x49: {  	v4 =	vadd.s32 v1, v4;
	_ =	sdelay $0x4  }
0x4a: {  	[tilespmem:s20], [sflag:$0x1] =	stream.indirect_vreg.gather [hbm4b:s1+s3], $0x80, v4, vm0, $0xb8;
	[tilespmem:$0x18200] =	vst v63  }
0x4b: {  	v3 =	vperm.xlane v3, v2  }
0x4c: {  	[tilespmem:s21], [sflag:$0x1] =	stream.indirect_vreg.gather [hbm4b:s5+s3], $0x80, v4, vm0, $0xb8;
	[tilespmem:$0x18200] =	vst v63  }
0x4d: {  	v3 =	vadd.s32 v1, v3  }
0x4e: {  	[tilespmem:s22], [sflag:$0x1] =	stream.indirect_vreg.gather [hbm4b:s6+s3], $0x80, v4, vm0, $0xb8;
	[tilespmem:$0x18200] =	vst v63  }
0x4f: {  	_ = 	snop  }
0x50: {  	[tilespmem:s23], [sflag:$0x1] =	stream.indirect_vreg.gather [hbm4b:s7+s3], $0x80, v4, vm0, $0xb8;
	[tilespmem:$0x18200] =	vst v63  }
0x51: {  	_ = 	snop  }
0x52: {  	[tilespmem:s24], [sflag:$0x1] =	stream.indirect_vreg.gather [hbm4b:s1+s3], $0x80, v3, vm0, $0xb8;
	[tilespmem:$0x18200] =	vst v63  }
0x53: {  	_ = 	snop  }
0x54: {  	[tilespmem:s25], [sflag:$0x1] =	stream.indirect_vreg.gather [hbm4b:s5+s3], $0x80, v3, vm0, $0xb8;
	[tilespmem:$0x18200] =	vst v63  }
0x55: {  	_ = 	snop  }
0x56: {  	[tilespmem:s26], [sflag:$0x1] =	stream.indirect_vreg.gather [hbm4b:s6+s3], $0x80, v3, vm0, $0xb8;
	[tilespmem:$0x18200] =	vst v63  }
0x57: {  	_ = 	snop  }
0x58: {  	[tilespmem:s29], [sflag:$0x1] =	stream.indirect_vreg.gather [hbm4b:s7+s3], $0x80, v3, vm0, $0xb8;
	[tilespmem:$0x18200] =	vst v63  }
0x59: {  	v3 =	vld [tilespmem:$0x80];
	_ =	sdelay $0x4  }
0x5a: {  	v58 =	vshll.u32 v3, $0x3  }
0x5b: {  	v3 =	vand.u32 $0x7, v3;
	v4 =	vand.u32 $0xFFFFFFC0, v58  }
0x5c: {  	v3 =	vor.u32 v3, v4  }
0x5d: {  	v4 =	vperm.xlane v3, v0;
	_ =	sdelay $0x1  }
0x5e: {  	v4 =	vadd.s32 v1, v4;
	_ =	sdelay $0x3  }
0x5f: {  	s9 =	simm.s32 $0x8200  }
0x60: {  	[tilespmem:s9], [sflag:$0x2] =	stream.indirect_vreg.gather [hbm4b:s1+s3], $0x80, v4, vm0, $0xb8;
	[tilespmem:$0x18200] =	vst v63  }
0x61: {  	s11 =	rddreg [dreg:$0x8];
	v3 =	vperm.xlane v3, v2  }
0x62: {  	[tilespmem:s11], [sflag:$0x2] =	stream.indirect_vreg.gather [hbm4b:s5+s3], $0x80, v4, vm0, $0xb8;
	[tilespmem:$0x18200] =	vst v63  }
0x63: {  	s12 =	rddreg [dreg:$0x9];
	v3 =	vadd.s32 v1, v3  }
0x64: {  	[tilespmem:s12], [sflag:$0x2] =	stream.indirect_vreg.gather [hbm4b:s6+s3], $0x80, v4, vm0, $0xb8;
	[tilespmem:$0x18200] =	vst v63  }
0x65: {  	s11 =	rddreg [dreg:$0xa]  }
0x66: {  	[tilespmem:s11], [sflag:$0x2] =	stream.indirect_vreg.gather [hbm4b:s7+s3], $0x80, v4, vm0, $0xb8;
	[tilespmem:$0x18200] =	vst v63  }
0x67: {  	s12 =	rddreg [dreg:$0xb]  }
0x68: {  	[tilespmem:s12], [sflag:$0x2] =	stream.indirect_vreg.gather [hbm4b:s1+s3], $0x80, v3, vm0, $0xb8;
	[tilespmem:$0x18200] =	vst v63  }
0x69: {  	s11 =	rddreg [dreg:$0xc]  }
0x6a: {  	[tilespmem:s11], [sflag:$0x2] =	stream.indirect_vreg.gather [hbm4b:s5+s3], $0x80, v3, vm0, $0xb8;
	[tilespmem:$0x18200] =	vst v63  }
0x6b: {  	s12 =	rddreg [dreg:$0xd]  }
0x6c: {  	[tilespmem:s12], [sflag:$0x2] =	stream.indirect_vreg.gather [hbm4b:s6+s3], $0x80, v3, vm0, $0xb8;
	[tilespmem:$0x18200] =	vst v63  }
0x6d: {  	s11 =	rddreg [dreg:$0xe]  }
0x6e: {  	[tilespmem:s11], [sflag:$0x2] =	stream.indirect_vreg.gather [hbm4b:s7+s3], $0x80, v3, vm0, $0xb8;
	[tilespmem:$0x18200] =	vst v63  }
0x6f: {  	v3 =	vld [tilespmem:$0x90];
	_ =	sdelay $0x4  }
0x70: {  	v59 =	vshll.u32 v3, $0x3  }
0x71: {  	v3 =	vand.u32 $0x7, v3;
	v4 =	vand.u32 $0xFFFFFFC0, v59  }
0x72: {  	v3 =	vor.u32 v3, v4  }
0x73: {  	v4 =	vperm.xlane v3, v0;
	_ =	sdelay $0x1  }
0x74: {  	v4 =	vadd.s32 v1, v4;
	_ =	sdelay $0x3  }
0x75: {  	s11 =	rddreg [dreg:$0xf]  }
0x76: {  	[tilespmem:s11], [sflag:$0x2] =	stream.indirect_vreg.gather [hbm4b:s1+s3], $0x80, v4, vm0, $0xb8;
	[tilespmem:$0x18200] =	vst v63  }
0x77: {  	s12 =	rddreg [dreg:$0x10];
	v3 =	vperm.xlane v3, v2  }
0x78: {  	[tilespmem:s12], [sflag:$0x2] =	stream.indirect_vreg.gather [hbm4b:s5+s3], $0x80, v4, vm0, $0xb8;
	[tilespmem:$0x18200] =	vst v63  }
0x79: {  	v3 =	vadd.s32 v1, v3;
	s11 =	rddreg [dreg:$0x11]  }
0x7a: {  	[tilespmem:s11], [sflag:$0x2] =	stream.indirect_vreg.gather [hbm4b:s6+s3], $0x80, v4, vm0, $0xb8;
	[tilespmem:$0x18200] =	vst v63  }
0x7b: {  	s12 =	rddreg [dreg:$0x12]  }
0x7c: {  	[tilespmem:s12], [sflag:$0x2] =	stream.indirect_vreg.gather [hbm4b:s7+s3], $0x80, v4, vm0, $0xb8;
	[tilespmem:$0x18200] =	vst v63  }
0x7d: {  	s11 =	rddreg [dreg:$0x13]  }
0x7e: {  	[tilespmem:s11], [sflag:$0x2] =	stream.indirect_vreg.gather [hbm4b:s1+s3], $0x80, v3, vm0, $0xb8;
	[tilespmem:$0x18200] =	vst v63  }
0x7f: {  	s12 =	rddreg [dreg:$0x14]  }
0x80: {  	[tilespmem:s12], [sflag:$0x2] =	stream.indirect_vreg.gather [hbm4b:s5+s3], $0x80, v3, vm0, $0xb8;
	[tilespmem:$0x18200] =	vst v63  }
0x81: {  	s11 =	rddreg [dreg:$0x15]  }
0x82: {  	[tilespmem:s11], [sflag:$0x2] =	stream.indirect_vreg.gather [hbm4b:s6+s3], $0x80, v3, vm0, $0xb8;
	[tilespmem:$0x18200] =	vst v63  }
0x83: {  	s12 =	rddreg [dreg:$0x16]  }
0x84: {  	[tilespmem:s12], [sflag:$0x2] =	stream.indirect_vreg.gather [hbm4b:s7+s3], $0x80, v3, vm0, $0xb8;
	[tilespmem:$0x18200] =	vst v63  }
0x85: {  	_ =	swait.ge [sflag:s28], $0x8000  }
0x86: {  	s12 =	sld [smem:$0x7F7]  }
0x87: {  	[sflag:s28] =	ssyncset.done $0x0  }
0x88: {  	[sflag:s28] =	ssyncadd.s32 $0xFFFF8000  }
0x89: {  	[hbm4b:s12+s3] =	stream.linear.scatter [tilespmem:s10], [sflag:$0x4], $0x8000, $0x38;
	[tilespmem:$0x18200] =	vst v63  }
0x8a: {  	v3 =	vld [tilespmem:$0x100];
	_ =	sdelay $0x4  }
0x8b: {  	v60 =	vshll.u32 v3, $0x3  }
0x8c: {  	v3 =	vand.u32 $0x7, v3;
	v4 =	vand.u32 $0xFFFFFFC0, v60  }
0x8d: {  	v3 =	vor.u32 v3, v4  }
0x8e: {  	v4 =	vperm.xlane v3, v0;
	_ =	sdelay $0x1  }
0x8f: {  	v4 =	vadd.s32 v1, v4;
	_ =	sdelay $0x4  }
0x90: {  	[tilespmem:s30], [sflag:$0x3] =	stream.indirect_vreg.gather [hbm4b:s1+s3], $0x80, v4, vm0, $0xb8;
	[tilespmem:$0x18200] =	vst v63  }
0x91: {  	s11 =	rddreg [dreg:$0x17];
	v3 =	vperm.xlane v3, v2  }
0x92: {  	[tilespmem:s11], [sflag:$0x3] =	stream.indirect_vreg.gather [hbm4b:s5+s3], $0x80, v4, vm0, $0xb8;
	[tilespmem:$0x18200] =	vst v63  }
0x93: {  	s12 =	rddreg [dreg:$0x18];
	v3 =	vadd.s32 v1, v3  }
0x94: {  	[tilespmem:s12], [sflag:$0x3] =	stream.indirect_vreg.gather [hbm4b:s6+s3], $0x80, v4, vm0, $0xb8;
	[tilespmem:$0x18200] =	vst v63  }
0x95: {  	s11 =	rddreg [dreg:$0x19]  }
0x96: {  	[tilespmem:s11], [sflag:$0x3] =	stream.indirect_vreg.gather [hbm4b:s7+s3], $0x80, v4, vm0, $0xb8;
	[tilespmem:$0x18200] =	vst v63  }
0x97: {  	s12 =	rddreg [dreg:$0x1a]  }
0x98: {  	[tilespmem:s12], [sflag:$0x3] =	stream.indirect_vreg.gather [hbm4b:s1+s3], $0x80, v3, vm0, $0xb8;
	[tilespmem:$0x18200] =	vst v63  }
0x99: {  	s11 =	rddreg [dreg:$0x1b]  }
0x9a: {  	[tilespmem:s11], [sflag:$0x3] =	stream.indirect_vreg.gather [hbm4b:s5+s3], $0x80, v3, vm0, $0xb8;
	[tilespmem:$0x18200] =	vst v63  }
0x9b: {  	s12 =	rddreg [dreg:$0x1c]  }
0x9c: {  	[tilespmem:s12], [sflag:$0x3] =	stream.indirect_vreg.gather [hbm4b:s6+s3], $0x80, v3, vm0, $0xb8;
	[tilespmem:$0x18200] =	vst v63  }
0x9d: {  	s11 =	rddreg [dreg:$0x1d]  }
0x9e: {  	[tilespmem:s11], [sflag:$0x3] =	stream.indirect_vreg.gather [hbm4b:s7+s3], $0x80, v3, vm0, $0xb8;
	[tilespmem:$0x18200] =	vst v63  }
0x9f: {  	v3 =	vld [tilespmem:$0x110];
	_ =	sdelay $0x4  }
0xa0: {  	v61 =	vshll.u32 v3, $0x3  }
0xa1: {  	v3 =	vand.u32 $0x7, v3;
	v4 =	vand.u32 $0xFFFFFFC0, v61  }
0xa2: {  	v3 =	vor.u32 v3, v4  }
0xa3: {  	v4 =	vperm.xlane v3, v0;
	_ =	sdelay $0x1  }
0xa4: {  	v4 =	vadd.s32 v1, v4;
	_ =	sdelay $0x2  }
0xa5: {  	s12 =	rddreg [dreg:$0x1f]  }
0xa6: {  	s11 =	rddreg [dreg:$0x1e]  }
0xa7: {  	[tilespmem:s11], [sflag:$0x3] =	stream.indirect_vreg.gather [hbm4b:s1+s3], $0x80, v4, vm0, $0xb8;
	[tilespmem:$0x18200] =	vst v63  }
0xa8: {  	v3 =	vperm.xlane v3, v2;
	s11 =	sld [smem:$0x7F8]  }
0xa9: {  	[tilespmem:s12], [sflag:$0x3] =	stream.indirect_vreg.gather [hbm4b:s5+s3], $0x80, v4, vm0, $0xb8;
	[tilespmem:$0x18200] =	vst v63  }
0xaa: {  	v3 =	vadd.s32 v1, v3;
	s12 =	sld [smem:$0x7F9]  }
0xab: {  	[tilespmem:s11], [sflag:$0x3] =	stream.indirect_vreg.gather [hbm4b:s6+s3], $0x80, v4, vm0, $0xb8;
	[tilespmem:$0x18200] =	vst v63  }
0xac: {  	s11 =	sld [smem:$0x7FA]  }
0xad: {  	[tilespmem:s12], [sflag:$0x3] =	stream.indirect_vreg.gather [hbm4b:s7+s3], $0x80, v4, vm0, $0xb8;
	[tilespmem:$0x18200] =	vst v63  }
0xae: {  	s12 =	sld [smem:$0x7FB]  }
0xaf: {  	[tilespmem:s11], [sflag:$0x3] =	stream.indirect_vreg.gather [hbm4b:s1+s3], $0x80, v3, vm0, $0xb8;
	[tilespmem:$0x18200] =	vst v63  }
0xb0: {  	s11 =	sld [smem:$0x7FC]  }
0xb1: {  	[tilespmem:s12], [sflag:$0x3] =	stream.indirect_vreg.gather [hbm4b:s5+s3], $0x80, v3, vm0, $0xb8;
	[tilespmem:$0x18200] =	vst v63  }
0xb2: {  	s12 =	sld [smem:$0x7FD]  }
0xb3: {  	[tilespmem:s11], [sflag:$0x3] =	stream.indirect_vreg.gather [hbm4b:s6+s3], $0x80, v3, vm0, $0xb8;
	[tilespmem:$0x18200] =	vst v63  }
0xb4: {  	_ = 	snop  }
0xb5: {  	[tilespmem:s12], [sflag:$0x3] =	stream.indirect_vreg.gather [hbm4b:s7+s3], $0x80, v3, vm0, $0xb8;
	[tilespmem:$0x18200] =	vst v63  }
0xb6: {  	s12 =	simm.s32 $0x2  }
0xb7: {  	_ =	swait.ge [sflag:s12], $0x8000  }
0xb8: {  	[sflag:s12] =	ssyncset.done $0x0  }
0xb9: {  	s11 =	rddreg [dreg:$0x5];
	[sflag:s12] =	ssyncadd.s32 $0xFFFF8000  }
0xba: {  	[hbm4b:s11+s3] =	stream.linear.scatter [tilespmem:s9], [sflag:$0x5], $0x8000, $0x38;
	[tilespmem:$0x18200] =	vst v63  }
0xbb: {  	_ =	swait.ge [sflag:s31], $0x8000  }
0xbc: {  	[sflag:s31] =	ssyncset.done $0x0  }
0xbd: {  	[sflag:s31] =	ssyncadd.s32 $0xFFFF8000  }
0xbe: {  	v3 =	vld [tilespmem:$0x180];
	_ =	sdelay $0x4  }
0xbf: {  	v62 =	vshll.u32 v3, $0x3  }
0xc0: {  	v3 =	vand.u32 $0x7, v3;
	v4 =	vand.u32 $0xFFFFFFC0, v62  }
0xc1: {  	v3 =	vor.u32 v3, v4  }
0xc2: {  	v4 =	vperm.xlane v3, v0;
	_ =	sdelay $0x1  }
0xc3: {  	v4 =	vadd.s32 v1, v4;
	_ =	sdelay $0x4  }
0xc4: {  	[tilespmem:s10], [sflag:$0x1] =	stream.indirect_vreg.gather [hbm4b:s1+s3], $0x80, v4, vm0, $0xb8;
	[tilespmem:$0x18200] =	vst v63  }
0xc5: {  	v3 =	vperm.xlane v3, v2  }
0xc6: {  	[tilespmem:s13], [sflag:$0x1] =	stream.indirect_vreg.gather [hbm4b:s5+s3], $0x80, v4, vm0, $0xb8;
	[tilespmem:$0x18200] =	vst v63  }
0xc7: {  	v3 =	vadd.s32 v1, v3  }
0xc8: {  	[tilespmem:s14], [sflag:$0x1] =	stream.indirect_vreg.gather [hbm4b:s6+s3], $0x80, v4, vm0, $0xb8;
	[tilespmem:$0x18200] =	vst v63  }
0xc9: {  	_ = 	snop  }
0xca: {  	[tilespmem:s15], [sflag:$0x1] =	stream.indirect_vreg.gather [hbm4b:s7+s3], $0x80, v4, vm0, $0xb8;
	[tilespmem:$0x18200] =	vst v63  }
0xcb: {  	_ = 	snop  }
0xcc: {  	[tilespmem:s16], [sflag:$0x1] =	stream.indirect_vreg.gather [hbm4b:s1+s3], $0x80, v3, vm0, $0xb8;
	[tilespmem:$0x18200] =	vst v63  }
0xcd: {  	_ = 	snop  }
0xce: {  	[tilespmem:s17], [sflag:$0x1] =	stream.indirect_vreg.gather [hbm4b:s5+s3], $0x80, v3, vm0, $0xb8;
	[tilespmem:$0x18200] =	vst v63  }
0xcf: {  	_ = 	snop  }
0xd0: {  	[tilespmem:s18], [sflag:$0x1] =	stream.indirect_vreg.gather [hbm4b:s6+s3], $0x80, v3, vm0, $0xb8;
	[tilespmem:$0x18200] =	vst v63  }
0xd1: {  	_ = 	snop  }
0xd2: {  	[tilespmem:s19], [sflag:$0x1] =	stream.indirect_vreg.gather [hbm4b:s7+s3], $0x80, v3, vm0, $0xb8;
	[tilespmem:$0x18200] =	vst v63  }
0xd3: {  	v3 =	vld [tilespmem:$0x190];
	_ =	sdelay $0x4  }
0xd4: {  	v63 =	vshll.u32 v3, $0x3  }
0xd5: {  	v3 =	vand.u32 $0x7, v3;
	v4 =	vand.u32 $0xFFFFFFC0, v63  }
0xd6: {  	v3 =	vor.u32 v3, v4  }
0xd7: {  	v4 =	vperm.xlane v3, v0;
	_ =	sdelay $0x1  }
0xd8: {  	v4 =	vadd.s32 v1, v4;
	_ =	sdelay $0x4  }
0xd9: {  	[tilespmem:s20], [sflag:$0x1] =	stream.indirect_vreg.gather [hbm4b:s1+s3], $0x80, v4, vm0, $0xb8;
	[tilespmem:$0x18200] =	vst v63  }
0xda: {  	v3 =	vperm.xlane v3, v2  }
0xdb: {  	[tilespmem:s21], [sflag:$0x1] =	stream.indirect_vreg.gather [hbm4b:s5+s3], $0x80, v4, vm0, $0xb8;
	[tilespmem:$0x18200] =	vst v63  }
0xdc: {  	v3 =	vadd.s32 v1, v3  }
0xdd: {  	[tilespmem:s22], [sflag:$0x1] =	stream.indirect_vreg.gather [hbm4b:s6+s3], $0x80, v4, vm0, $0xb8;
	[tilespmem:$0x18200] =	vst v63  }
0xde: {  	_ = 	snop  }
0xdf: {  	[tilespmem:s23], [sflag:$0x1] =	stream.indirect_vreg.gather [hbm4b:s7+s3], $0x80, v4, vm0, $0xb8;
	[tilespmem:$0x18200] =	vst v63  }
0xe0: {  	_ = 	snop  }
0xe1: {  	[tilespmem:s24], [sflag:$0x1] =	stream.indirect_vreg.gather [hbm4b:s1+s3], $0x80, v3, vm0, $0xb8;
	[tilespmem:$0x18200] =	vst v63  }
0xe2: {  	_ = 	snop  }
0xe3: {  	[tilespmem:s25], [sflag:$0x1] =	stream.indirect_vreg.gather [hbm4b:s5+s3], $0x80, v3, vm0, $0xb8;
	[tilespmem:$0x18200] =	vst v63  }
0xe4: {  	_ = 	snop  }
0xe5: {  	[tilespmem:s26], [sflag:$0x1] =	stream.indirect_vreg.gather [hbm4b:s6+s3], $0x80, v3, vm0, $0xb8;
	[tilespmem:$0x18200] =	vst v63  }
0xe6: {  	_ = 	snop  }
0xe7: {  	[tilespmem:s29], [sflag:$0x1] =	stream.indirect_vreg.gather [hbm4b:s7+s3], $0x80, v3, vm0, $0xb8;
	[tilespmem:$0x18200] =	vst v63  }
0xe8: {  	_ =	swait.ge [sflag:s0], $0x8000  }
0xe9: {  	[sflag:s0] =	ssyncset.done $0x0  }
0xea: {  	s9 =	rddreg [dreg:$0x6];
	[sflag:s0] =	ssyncadd.s32 $0xFFFF8000  }
0xeb: {  	[hbm4b:s9+s3] =	stream.linear.scatter [tilespmem:s30], [sflag:$0x6], $0x8000, $0x38;
	[tilespmem:$0x18200] =	vst v63  }
0xec: {  	_ =	swait.ge [sflag:s28], $0x8000  }
0xed: {  	[sflag:s28] =	ssyncset.done $0x0  }
0xee: {  	s12 =	rddreg [dreg:$0x7];
	[sflag:s28] =	ssyncadd.s32 $0xFFFF8000  }
0xef: {  	[hbm4b:s12+s3] =	stream.linear.scatter [tilespmem:s10], [sflag:$0x4], $0x8000, $0x38;
	[tilespmem:$0x18200] =	vst v63  }
0xf0: {  	_ =	swait.ge [sflag:s2], $0x8000  }
0xf1: {  	[sflag:s2] =	ssyncset.done $0x0  }
0xf2: {  	[sflag:s2] =	ssyncadd.s32 $0xFFFF8000  }
0xf3: {  	p0 =	sne.s32 s8, $0x1;
	_ =	swait.ge [sflag:s4], $0x8000  }
.Ltmp0:
0xf4: {  	[sflag:s4] =	ssyncset.done $0x0;
	(pc) =	sbr.rel @p0 .LBB2_1-.Ltmp0, $4  }
0xf5: {  	[sflag:s4] =	ssyncadd.s32 $0xFFFF8000  }
0xf6: {  	_ =	swait.ge [sflag:s31], $0x8000  }
0xf7: {  	[sflag:s31] =	ssyncset.done $0x0  }
0xf8: {  	s8 =	sadd.s32 $0xFFFFFFFF, s8;
	[sflag:s31] =	ssyncadd.s32 $0xFFFF8000  }
0xf9: {  	_ =	sfence.sel $0x180000  }
0xfa: {  	[bflag:$0x0] =	sbarrier.arrive $0xFFFF  }
0xfb: {  	_ =	strace $0x90000047  }
0xfc: {  	s0 =	stileid.u32;
	[bflag:$0x2] =	sbarrier.arrive $0xFFFF  }
0xfd: {  	p0 =	sne.s32 s0, $0x0;
	s0 =	rddreg [dreg:$0x3]  }
0xfe: {  	s0 =	sadd.s32 @!p0 $0x100000, s0  }
0xff: {  	[sflag:s0] =	ssyncadd.tile.s32 @!p0 $0x1;
	_ =	shalt  }
.Lfunc_end2:
_tile_overlayer_lowered:
.L_overlay_start_2:
0x100: {  	(tag) =	ssettag $0x2  }
0x101: {  	s0 =	rddreg [dreg:$0x0];
	s2 =	stileid.u32  }
0x102: {  	s1 =	rddreg [dreg:$0x1];
	p0 =	sne.s32 s2, $0x0  }
0x103: {  	s3 =	rddreg [dreg:$0x2];
	[bflag:$0x3] =	sbarrier.arrive $0xFFFF;
	s2 =	simm.s32 @!p0 $0x1C07  }
0x104: {  	[timem:s3], [sflag:s2] =	dma.local @!p0 [hbm:s0], s1  }
0x105: {  	s0 =	simm.s32 @!p0 $0x7  }
0x106: {  	_ =	swait.ge @!p0 [sflag:s0], s1  }
0x107: {  	s1 =	ssub.s32 @!p0 $0x0, s1;
	[sflag:s0] =	ssyncset.done @!p0 $0x0  }
0x108: {  	[sflag:s0] =	ssyncadd.s32 @!p0 s1  }
0x109: {  	[bflag:$0x3] =	sbarrier.arrive $0xFFFF  }
0x10a: {  	_ =	shalt  }

</sc_bundles>
